<compile_context>
chip_gen: v7x
topology: tpu7x:2x2x1
jax: 0.10.2.dev20260603
libtpu: 0.0.44.dev20260713+nightly
codegen_flags: <defaults>
</compile_context>

<pallas_src>
import functools

import jax
import jax.numpy as jnp
from jax import lax
from jax.experimental import pallas as pl
from jax.experimental.pallas import tpu as pltpu
from jax.experimental.pallas import tpu_sc as plsc

_B, _T, _C = 16, 1024, 768
_NC, _NS = 2, 16
_NW = _NC * _NS
_ROWS_PER_W = _B * _T // _NW
_BLK = 32
_NBLK = _ROWS_PER_W // _BLK
_NBUF = 5


def _shuffle_body(x_hbm, gidx_hbm, out_hbm, idx_v, *rest):
    bufs = rest[:_NBUF]
    gsems = rest[_NBUF:2 * _NBUF]
    ssems = rest[2 * _NBUF:]
    b = lax.axis_index("s")
    half = lax.axis_index("c")
    w_base = (b * _NC + half) * _ROWS_PER_W

    idx_cp = pltpu.async_copy(
        gidx_hbm.at[b, pl.ds(half * _NBLK, _NBLK)], idx_v, gsems[_NBUF - 1])

    def issue_read(g):
        buf = bufs[g % _NBUF]
        sem = gsems[g % _NBUF]
        if g % 2 == 0:
            return pltpu.async_copy(
                x_hbm.at[pl.ds(w_base + g * _BLK, _BLK)], buf, sem)
        return pltpu.async_copy(x_hbm.at[idx_v.at[g]], buf, sem)

    gs = [None] * _NBLK
    ss = [None] * _NBLK
    gs[0] = issue_read(0)
    idx_cp.wait()
    for g in range(1, _NBUF - 1):
        gs[g] = issue_read(g)
    for g in range(_NBLK):
        nx = g + _NBUF - 1
        if nx < _NBLK:
            if nx >= _NBUF:
                ss[nx - _NBUF].wait()
            gs[nx] = issue_read(nx)
        gs[g].wait()
        ss[g] = pltpu.async_copy(
            bufs[g % _NBUF],
            out_hbm.at[pl.ds(w_base + g * _BLK, _BLK)],
            ssems[g % _NBUF])
    for g in range(_NBLK - _NBUF, _NBLK):
        ss[g].wait()


_shuffle = functools.partial(
    pl.kernel,
    mesh=plsc.VectorSubcoreMesh(core_axis_name="c", subcore_axis_name="s"),
    out_type=jax.ShapeDtypeStruct((_B * _T, _C), jnp.float32),
    scratch_types=(
        [pltpu.VMEM((_NBLK, _BLK), jnp.int32)]
        + [pltpu.VMEM((_BLK, _C), jnp.float32) for _ in range(_NBUF)]
        + [pltpu.SemaphoreType.DMA for _ in range(2 * _NBUF)]
    ),
)(_shuffle_body)


def kernel(x, forward_shuffle_idx):
    x2 = x.reshape(_B * _T, _C)
    gidx = (forward_shuffle_idx.reshape(_T // _BLK, _BLK)[None]
            + (_T * jnp.arange(_B, dtype=jnp.int32))[:, None, None])
    out = _shuffle(x2, gidx)
    return out.reshape(_B, _T, _C)

# --- scband reference (transcript-rebuilt; emitter-appended) ---
"""Pipeline reference for scband-alternate-parsing-65798898975113 (READ-ONLY COPY).

The authoritative reference and input builder live on the scoring server;
editing this copy changes nothing except your own understanding.
"""

import jax, jax.numpy as jnp
import numpy as np

H, W, B, C = 32, 32, 16, 768

def _make_alternate_idx(H, W):
    indices = np.arange(W * H).reshape(H, W)
    for i in range(1, H, 2):
        indices[i, :] = indices[i, ::-1]
    idx = indices.flatten()
    assert len(idx) == H * W
    return idx

def setup_inputs(seed: int = 0) -> dict:
    key = jax.random.key(seed)
    x = jax.random.normal(key, (B, H * W, C), dtype=jnp.float32)
    fwd_idx = jnp.asarray(_make_alternate_idx(H, W), dtype=jnp.int32)
    # backward_shuffle_idx (argsort of fwd_idx) exists as a buffer in the module;
    # default forward path (reverse=False) only uses forward_shuffle_idx.
    return {"x": x, "forward_shuffle_idx": fwd_idx}

def reference(x, forward_shuffle_idx):
    # Faithful to: x[:, self.forward_shuffle_idx]  (reverse=False default path)
    return jnp.take(x, forward_shuffle_idx, axis=1)

if __name__ == "__main__":
    import jax
    _d = setup_inputs()
    print(jax.jit(kernel)(*tuple(_d.values())))

</pallas_src>

<mosaic_0001>
#map = affine_map<(d0, d1) -> (0, 0)>
#map1 = affine_map<(d0, d1) -> (0, 0, 0)>
module attributes {stable_mosaic.version = 14 : i64} {
  func.func @_shuffle_body(%arg0: i32, %arg1: i32, %arg2: memref<16384x768xf32, #tpu.memory_space<hbm>>, %arg3: memref<16x32x32xi32, #tpu.memory_space<hbm>>, %arg4: memref<16384x768xf32, #tpu.memory_space<hbm>>, %arg5: memref<16x32xi32, #tpu.memory_space<vmem>>, %arg6: memref<32x768xf32, #tpu.memory_space<vmem>>, %arg7: memref<32x768xf32, #tpu.memory_space<vmem>>, %arg8: memref<32x768xf32, #tpu.memory_space<vmem>>, %arg9: memref<32x768xf32, #tpu.memory_space<vmem>>, %arg10: memref<32x768xf32, #tpu.memory_space<vmem>>, %arg11: memref<!tpu.dma_semaphore, #tpu.memory_space<semaphore_mem>>, %arg12: memref<!tpu.dma_semaphore, #tpu.memory_space<semaphore_mem>>, %arg13: memref<!tpu.dma_semaphore, #tpu.memory_space<semaphore_mem>>, %arg14: memref<!tpu.dma_semaphore, #tpu.memory_space<semaphore_mem>>, %arg15: memref<!tpu.dma_semaphore, #tpu.memory_space<semaphore_mem>>, %arg16: memref<!tpu.dma_semaphore, #tpu.memory_space<semaphore_mem>>, %arg17: memref<!tpu.dma_semaphore, #tpu.memory_space<semaphore_mem>>, %arg18: memref<!tpu.dma_semaphore, #tpu.memory_space<semaphore_mem>>, %arg19: memref<!tpu.dma_semaphore, #tpu.memory_space<semaphore_mem>>, %arg20: memref<!tpu.dma_semaphore, #tpu.memory_space<semaphore_mem>>) attributes {dimension_semantics = [#tpu.dimension_semantics<core_parallel>, #tpu.dimension_semantics<subcore_parallel>], iteration_bounds = array<i64: 2, 16>, scalar_prefetch = 0 : i64, scratch_operands = 16 : i64, tpu.core_type = #tpu.core_type<sc_vector_subcore>, window_params = [{transform_indices = #map}, {transform_indices = #map1}, {transform_indices = #map}]} {
    %mul3A = arith.constant 2 : i32
    %mul3A_0 = arith.muli %arg1, %mul3A : i32
    %add3A = arith.addi %mul3A_0, %arg0 : i32
    %mul3A_1 = arith.constant 512 : i32
    %mul3A_2 = arith.muli %add3A, %mul3A_1 : i32
    %mul3A_3 = arith.constant 16 : i32
    %mul3A_4 = arith.muli %arg0, %mul3A_3 : i32
    %dma_start3A = arith.constant 0 : i32
    %dma_start3A_5 = tpu.memref_slice %arg3[%arg1, %mul3A_4, %dma_start3A] : memref<16x32x32xi32, #tpu.memory_space<hbm>> -> memref<1x16x32xi32, #tpu.memory_space<hbm>>
    %dma_start3A_6 = tpu.memref_squeeze %dma_start3A_5 : memref<1x16x32xi32, #tpu.memory_space<hbm>> -> memref<16x32xi32, #tpu.memory_space<hbm>>
    %dma_start3A_7 = arith.constant 0 : i32
    %dma_start3A_8 = tpu.memref_slice %arg3[%arg1, %mul3A_4, %dma_start3A_7] : memref<16x32x32xi32, #tpu.memory_space<hbm>> -> memref<1x16x32xi32, #tpu.memory_space<hbm>>
    %dma_start3A_9 = tpu.memref_squeeze %dma_start3A_8 : memref<1x16x32xi32, #tpu.memory_space<hbm>> -> memref<16x32xi32, #tpu.memory_space<hbm>>
    tpu.enqueue_dma source(%dma_start3A_9 : memref<16x32xi32, #tpu.memory_space<hbm>>) target(%arg5 : memref<16x32xi32, #tpu.memory_space<vmem>>) target_semaphore(%arg15 : memref<!tpu.dma_semaphore, #tpu.memory_space<semaphore_mem>>)
    %add3A_10 = arith.constant 0 : i32
    %add3A_11 = arith.addi %mul3A_2, %add3A_10 : i32
    %dma_start3A_12 = arith.constant 0 : i32
    %dma_start3A_13 = tpu.memref_slice %arg2[%add3A_11, %dma_start3A_12] : memref<16384x768xf32, #tpu.memory_space<hbm>> -> memref<32x768xf32, #tpu.memory_space<hbm>>
    %dma_start3A_14 = arith.constant 0 : i32
    %dma_start3A_15 = tpu.memref_slice %arg2[%add3A_11, %dma_start3A_14] : memref<16384x768xf32, #tpu.memory_space<hbm>> -> memref<32x768xf32, #tpu.memory_space<hbm>>
    tpu.enqueue_dma source(%dma_start3A_15 : memref<32x768xf32, #tpu.memory_space<hbm>>) target(%arg6 : memref<32x768xf32, #tpu.memory_space<vmem>>) target_semaphore(%arg11 : memref<!tpu.dma_semaphore, #tpu.memory_space<semaphore_mem>>)
    %dma_wait3A = arith.constant 0 : i32
    %dma_wait3A_16 = tpu.memref_slice %arg3[%arg1, %mul3A_4, %dma_wait3A] : memref<16x32x32xi32, #tpu.memory_space<hbm>> -> memref<1x16x32xi32, #tpu.memory_space<hbm>>
    %dma_wait3A_17 = tpu.memref_squeeze %dma_wait3A_16 : memref<1x16x32xi32, #tpu.memory_space<hbm>> -> memref<16x32xi32, #tpu.memory_space<hbm>>
    %dma_wait3A_18 = arith.constant 0 : i32
    %dma_wait3A_19 = tpu.memref_slice %arg3[%arg1, %mul3A_4, %dma_wait3A_18] : memref<16x32x32xi32, #tpu.memory_space<hbm>> -> memref<1x16x32xi32, #tpu.memory_space<hbm>>
    %dma_wait3A_20 = tpu.memref_squeeze %dma_wait3A_19 : memref<1x16x32xi32, #tpu.memory_space<hbm>> -> memref<16x32xi32, #tpu.memory_space<hbm>>
    tpu.wait_dma2 semaphore(%arg15 : memref<!tpu.dma_semaphore, #tpu.memory_space<semaphore_mem>>) src(%dma_wait3A_20 : memref<16x32xi32, #tpu.memory_space<hbm>>) dst(%arg5 : memref<16x32xi32, #tpu.memory_space<vmem>>)
    %dma_start3A_21 = arith.constant 1 : i32
    %dma_start3A_22 = arith.constant 0 : i32
    %dma_start3A_23 = tpu.memref_slice %arg5[%dma_start3A_21, %dma_start3A_22] : memref<16x32xi32, #tpu.memory_space<vmem>> -> memref<1x32xi32, #tpu.memory_space<vmem>>
    %dma_start3A_24 = tpu.memref_squeeze %dma_start3A_23 : memref<1x32xi32, #tpu.memory_space<vmem>> -> memref<32xi32, #tpu.memory_space<vmem>>
    %dma_start3A_25 = arith.constant 0 : i32
    %dma_start3A_26 = arith.constant 0 : i32
    %dma_start3A_27 = tpu.memref_slice %arg2[%dma_start3A_25, %dma_start3A_26] : memref<16384x768xf32, #tpu.memory_space<hbm>> -> memref<16384x768xf32, #tpu.memory_space<hbm>>
    tpu.enqueue_indirect_dma source(%dma_start3A_27 : memref<16384x768xf32, #tpu.memory_space<hbm>>) target(%arg7 : memref<32x768xf32, #tpu.memory_space<vmem>>) offsets(%dma_start3A_24 : memref<32xi32, #tpu.memory_space<vmem>>) semaphore(%arg12 : memref<!tpu.dma_semaphore, #tpu.memory_space<semaphore_mem>>)
    %add3A_28 = arith.constant 64 : i32
    %add3A_29 = arith.addi %mul3A_2, %add3A_28 : i32
    %dma_start3A_30 = arith.constant 0 : i32
    %dma_start3A_31 = tpu.memref_slice %arg2[%add3A_29, %dma_start3A_30] : memref<16384x768xf32, #tpu.memory_space<hbm>> -> memref<32x768xf32, #tpu.memory_space<hbm>>
    %dma_start3A_32 = arith.constant 0 : i32
    %dma_start3A_33 = tpu.memref_slice %arg2[%add3A_29, %dma_start3A_32] : memref<16384x768xf32, #tpu.memory_space<hbm>> -> memref<32x768xf32, #tpu.memory_space<hbm>>
    tpu.enqueue_dma source(%dma_start3A_33 : memref<32x768xf32, #tpu.memory_space<hbm>>) target(%arg8 : memref<32x768xf32, #tpu.memory_space<vmem>>) target_semaphore(%arg13 : memref<!tpu.dma_semaphore, #tpu.memory_space<semaphore_mem>>)
    %dma_start3A_34 = arith.constant 3 : i32
    %dma_start3A_35 = arith.constant 0 : i32
    %dma_start3A_36 = tpu.memref_slice %arg5[%dma_start3A_34, %dma_start3A_35] : memref<16x32xi32, #tpu.memory_space<vmem>> -> memref<1x32xi32, #tpu.memory_space<vmem>>
    %dma_start3A_37 = tpu.memref_squeeze %dma_start3A_36 : memref<1x32xi32, #tpu.memory_space<vmem>> -> memref<32xi32, #tpu.memory_space<vmem>>
    %dma_start3A_38 = arith.constant 0 : i32
    %dma_start3A_39 = arith.constant 0 : i32
    %dma_start3A_40 = tpu.memref_slice %arg2[%dma_start3A_38, %dma_start3A_39] : memref<16384x768xf32, #tpu.memory_space<hbm>> -> memref<16384x768xf32, #tpu.memory_space<hbm>>
    tpu.enqueue_indirect_dma source(%dma_start3A_40 : memref<16384x768xf32, #tpu.memory_space<hbm>>) target(%arg9 : memref<32x768xf32, #tpu.memory_space<vmem>>) offsets(%dma_start3A_37 : memref<32xi32, #tpu.memory_space<vmem>>) semaphore(%arg14 : memref<!tpu.dma_semaphore, #tpu.memory_space<semaphore_mem>>)
    %add3A_41 = arith.constant 128 : i32
    %add3A_42 = arith.addi %mul3A_2, %add3A_41 : i32
    %dma_start3A_43 = arith.constant 0 : i32
    %dma_start3A_44 = tpu.memref_slice %arg2[%add3A_42, %dma_start3A_43] : memref<16384x768xf32, #tpu.memory_space<hbm>> -> memref<32x768xf32, #tpu.memory_space<hbm>>
    %dma_start3A_45 = arith.constant 0 : i32
    %dma_start3A_46 = tpu.memref_slice %arg2[%add3A_42, %dma_start3A_45] : memref<16384x768xf32, #tpu.memory_space<hbm>> -> memref<32x768xf32, #tpu.memory_space<hbm>>
    tpu.enqueue_dma source(%dma_start3A_46 : memref<32x768xf32, #tpu.memory_space<hbm>>) target(%arg10 : memref<32x768xf32, #tpu.memory_space<vmem>>) target_semaphore(%arg15 : memref<!tpu.dma_semaphore, #tpu.memory_space<semaphore_mem>>)
    %dma_wait3A_47 = arith.constant 0 : i32
    %dma_wait3A_48 = tpu.memref_slice %arg2[%add3A_11, %dma_wait3A_47] : memref<16384x768xf32, #tpu.memory_space<hbm>> -> memref<32x768xf32, #tpu.memory_space<hbm>>
    %dma_wait3A_49 = arith.constant 0 : i32
    %dma_wait3A_50 = tpu.memref_slice %arg2[%add3A_11, %dma_wait3A_49] : memref<16384x768xf32, #tpu.memory_space<hbm>> -> memref<32x768xf32, #tpu.memory_space<hbm>>
    tpu.wait_dma2 semaphore(%arg11 : memref<!tpu.dma_semaphore, #tpu.memory_space<semaphore_mem>>) src(%dma_wait3A_50 : memref<32x768xf32, #tpu.memory_space<hbm>>) dst(%arg6 : memref<32x768xf32, #tpu.memory_space<vmem>>)
    %add3A_51 = arith.constant 0 : i32
    %add3A_52 = arith.addi %mul3A_2, %add3A_51 : i32
    %dma_start3A_53 = arith.constant 0 : i32
    %dma_start3A_54 = tpu.memref_slice %arg4[%add3A_52, %dma_start3A_53] : memref<16384x768xf32, #tpu.memory_space<hbm>> -> memref<32x768xf32, #tpu.memory_space<hbm>>
    %dma_start3A_55 = arith.constant 0 : i32
    %dma_start3A_56 = tpu.memref_slice %arg4[%add3A_52, %dma_start3A_55] : memref<16384x768xf32, #tpu.memory_space<hbm>> -> memref<32x768xf32, #tpu.memory_space<hbm>>
    tpu.enqueue_dma source(%arg6 : memref<32x768xf32, #tpu.memory_space<vmem>>) target(%dma_start3A_56 : memref<32x768xf32, #tpu.memory_space<hbm>>) target_semaphore(%arg16 : memref<!tpu.dma_semaphore, #tpu.memory_space<semaphore_mem>>)
    %dma_wait3A_57 = arith.constant 0 : i32
    %dma_wait3A_58 = tpu.memref_slice %arg4[%add3A_52, %dma_wait3A_57] : memref<16384x768xf32, #tpu.memory_space<hbm>> -> memref<32x768xf32, #tpu.memory_space<hbm>>
    %dma_wait3A_59 = arith.constant 0 : i32
    %dma_wait3A_60 = tpu.memref_slice %arg4[%add3A_52, %dma_wait3A_59] : memref<16384x768xf32, #tpu.memory_space<hbm>> -> memref<32x768xf32, #tpu.memory_space<hbm>>
    tpu.wait_dma2 semaphore(%arg16 : memref<!tpu.dma_semaphore, #tpu.memory_space<semaphore_mem>>) src(%arg6 : memref<32x768xf32, #tpu.memory_space<vmem>>) dst(%dma_wait3A_60 : memref<32x768xf32, #tpu.memory_space<hbm>>)
    %dma_start3A_61 = arith.constant 5 : i32
    %dma_start3A_62 = arith.constant 0 : i32
    %dma_start3A_63 = tpu.memref_slice %arg5[%dma_start3A_61, %dma_start3A_62] : memref<16x32xi32, #tpu.memory_space<vmem>> -> memref<1x32xi32, #tpu.memory_space<vmem>>
    %dma_start3A_64 = tpu.memref_squeeze %dma_start3A_63 : memref<1x32xi32, #tpu.memory_space<vmem>> -> memref<32xi32, #tpu.memory_space<vmem>>
    %dma_start3A_65 = arith.constant 0 : i32
    %dma_start3A_66 = arith.constant 0 : i32
    %dma_start3A_67 = tpu.memref_slice %arg2[%dma_start3A_65, %dma_start3A_66] : memref<16384x768xf32, #tpu.memory_space<hbm>> -> memref<16384x768xf32, #tpu.memory_space<hbm>>
    tpu.enqueue_indirect_dma source(%dma_start3A_67 : memref<16384x768xf32, #tpu.memory_space<hbm>>) target(%arg6 : memref<32x768xf32, #tpu.memory_space<vmem>>) offsets(%dma_start3A_64 : memref<32xi32, #tpu.memory_space<vmem>>) semaphore(%arg11 : memref<!tpu.dma_semaphore, #tpu.memory_space<semaphore_mem>>)
    %dma_wait3A_68 = arith.constant 1 : i32
    %dma_wait3A_69 = arith.constant 0 : i32
    %dma_wait3A_70 = tpu.memref_slice %arg5[%dma_wait3A_68, %dma_wait3A_69] : memref<16x32xi32, #tpu.memory_space<vmem>> -> memref<1x32xi32, #tpu.memory_space<vmem>>
    %dma_wait3A_71 = tpu.memref_squeeze %dma_wait3A_70 : memref<1x32xi32, #tpu.memory_space<vmem>> -> memref<32xi32, #tpu.memory_space<vmem>>
    %dma_wait3A_72 = arith.constant 0 : i32
    %dma_wait3A_73 = arith.constant 0 : i32
    %dma_wait3A_74 = tpu.memref_slice %arg2[%dma_wait3A_72, %dma_wait3A_73] : memref<16384x768xf32, #tpu.memory_space<hbm>> -> memref<16384x768xf32, #tpu.memory_space<hbm>>
    tpu.wait_indirect_dma semaphore(%arg12 : memref<!tpu.dma_semaphore, #tpu.memory_space<semaphore_mem>>) src(%dma_wait3A_74 : memref<16384x768xf32, #tpu.memory_space<hbm>>) dst(%arg7 : memref<32x768xf32, #tpu.memory_space<vmem>>)
    %add3A_75 = arith.constant 32 : i32
    %add3A_76 = arith.addi %mul3A_2, %add3A_75 : i32
    %dma_start3A_77 = arith.constant 0 : i32
    %dma_start3A_78 = tpu.memref_slice %arg4[%add3A_76, %dma_start3A_77] : memref<16384x768xf32, #tpu.memory_space<hbm>> -> memref<32x768xf32, #tpu.memory_space<hbm>>
    %dma_start3A_79 = arith.constant 0 : i32
    %dma_start3A_80 = tpu.memref_slice %arg4[%add3A_76, %dma_start3A_79] : memref<16384x768xf32, #tpu.memory_space<hbm>> -> memref<32x768xf32, #tpu.memory_space<hbm>>
    tpu.enqueue_dma source(%arg7 : memref<32x768xf32, #tpu.memory_space<vmem>>) target(%dma_start3A_80 : memref<32x768xf32, #tpu.memory_space<hbm>>) target_semaphore(%arg17 : memref<!tpu.dma_semaphore, #tpu.memory_space<semaphore_mem>>)
    %dma_wait3A_81 = arith.constant 0 : i32
    %dma_wait3A_82 = tpu.memref_slice %arg4[%add3A_76, %dma_wait3A_81] : memref<16384x768xf32, #tpu.memory_space<hbm>> -> memref<32x768xf32, #tpu.memory_space<hbm>>
    %dma_wait3A_83 = arith.constant 0 : i32
    %dma_wait3A_84 = tpu.memref_slice %arg4[%add3A_76, %dma_wait3A_83] : memref<16384x768xf32, #tpu.memory_space<hbm>> -> memref<32x768xf32, #tpu.memory_space<hbm>>
    tpu.wait_dma2 semaphore(%arg17 : memref<!tpu.dma_semaphore, #tpu.memory_space<semaphore_mem>>) src(%arg7 : memref<32x768xf32, #tpu.memory_space<vmem>>) dst(%dma_wait3A_84 : memref<32x768xf32, #tpu.memory_space<hbm>>)
    %add3A_85 = arith.constant 192 : i32
    %add3A_86 = arith.addi %mul3A_2, %add3A_85 : i32
    %dma_start3A_87 = arith.constant 0 : i32
    %dma_start3A_88 = tpu.memref_slice %arg2[%add3A_86, %dma_start3A_87] : memref<16384x768xf32, #tpu.memory_space<hbm>> -> memref<32x768xf32, #tpu.memory_space<hbm>>
    %dma_start3A_89 = arith.constant 0 : i32
    %dma_start3A_90 = tpu.memref_slice %arg2[%add3A_86, %dma_start3A_89] : memref<16384x768xf32, #tpu.memory_space<hbm>> -> memref<32x768xf32, #tpu.memory_space<hbm>>
    tpu.enqueue_dma source(%dma_start3A_90 : memref<32x768xf32, #tpu.memory_space<hbm>>) target(%arg7 : memref<32x768xf32, #tpu.memory_space<vmem>>) target_semaphore(%arg12 : memref<!tpu.dma_semaphore, #tpu.memory_space<semaphore_mem>>)
    %dma_wait3A_91 = arith.constant 0 : i32
    %dma_wait3A_92 = tpu.memref_slice %arg2[%add3A_29, %dma_wait3A_91] : memref<16384x768xf32, #tpu.memory_space<hbm>> -> memref<32x768xf32, #tpu.memory_space<hbm>>
    %dma_wait3A_93 = arith.constant 0 : i32
    %dma_wait3A_94 = tpu.memref_slice %arg2[%add3A_29, %dma_wait3A_93] : memref<16384x768xf32, #tpu.memory_space<hbm>> -> memref<32x768xf32, #tpu.memory_space<hbm>>
    tpu.wait_dma2 semaphore(%arg13 : memref<!tpu.dma_semaphore, #tpu.memory_space<semaphore_mem>>) src(%dma_wait3A_94 : memref<32x768xf32, #tpu.memory_space<hbm>>) dst(%arg8 : memref<32x768xf32, #tpu.memory_space<vmem>>)
    %add3A_95 = arith.constant 64 : i32
    %add3A_96 = arith.addi %mul3A_2, %add3A_95 : i32
    %dma_start3A_97 = arith.constant 0 : i32
    %dma_start3A_98 = tpu.memref_slice %arg4[%add3A_96, %dma_start3A_97] : memref<16384x768xf32, #tpu.memory_space<hbm>> -> memref<32x768xf32, #tpu.memory_space<hbm>>
    %dma_start3A_99 = arith.constant 0 : i32
    %dma_start3A_100 = tpu.memref_slice %arg4[%add3A_96, %dma_start3A_99] : memref<16384x768xf32, #tpu.memory_space<hbm>> -> memref<32x768xf32, #tpu.memory_space<hbm>>
    tpu.enqueue_dma source(%arg8 : memref<32x768xf32, #tpu.memory_space<vmem>>) target(%dma_start3A_100 : memref<32x768xf32, #tpu.memory_space<hbm>>) target_semaphore(%arg18 : memref<!tpu.dma_semaphore, #tpu.memory_space<semaphore_mem>>)
    %dma_wait3A_101 = arith.constant 0 : i32
    %dma_wait3A_102 = tpu.memref_slice %arg4[%add3A_96, %dma_wait3A_101] : memref<16384x768xf32, #tpu.memory_space<hbm>> -> memref<32x768xf32, #tpu.memory_space<hbm>>
    %dma_wait3A_103 = arith.constant 0 : i32
    %dma_wait3A_104 = tpu.memref_slice %arg4[%add3A_96, %dma_wait3A_103] : memref<16384x768xf32, #tpu.memory_space<hbm>> -> memref<32x768xf32, #tpu.memory_space<hbm>>
    tpu.wait_dma2 semaphore(%arg18 : memref<!tpu.dma_semaphore, #tpu.memory_space<semaphore_mem>>) src(%arg8 : memref<32x768xf32, #tpu.memory_space<vmem>>) dst(%dma_wait3A_104 : memref<32x768xf32, #tpu.memory_space<hbm>>)
    %dma_start3A_105 = arith.constant 7 : i32
    %dma_start3A_106 = arith.constant 0 : i32
    %dma_start3A_107 = tpu.memref_slice %arg5[%dma_start3A_105, %dma_start3A_106] : memref<16x32xi32, #tpu.memory_space<vmem>> -> memref<1x32xi32, #tpu.memory_space<vmem>>
    %dma_start3A_108 = tpu.memref_squeeze %dma_start3A_107 : memref<1x32xi32, #tpu.memory_space<vmem>> -> memref<32xi32, #tpu.memory_space<vmem>>
    %dma_start3A_109 = arith.constant 0 : i32
    %dma_start3A_110 = arith.constant 0 : i32
    %dma_start3A_111 = tpu.memref_slice %arg2[%dma_start3A_109, %dma_start3A_110] : memref<16384x768xf32, #tpu.memory_space<hbm>> -> memref<16384x768xf32, #tpu.memory_space<hbm>>
    tpu.enqueue_indirect_dma source(%dma_start3A_111 : memref<16384x768xf32, #tpu.memory_space<hbm>>) target(%arg8 : memref<32x768xf32, #tpu.memory_space<vmem>>) offsets(%dma_start3A_108 : memref<32xi32, #tpu.memory_space<vmem>>) semaphore(%arg13 : memref<!tpu.dma_semaphore, #tpu.memory_space<semaphore_mem>>)
    %dma_wait3A_112 = arith.constant 3 : i32
    %dma_wait3A_113 = arith.constant 0 : i32
    %dma_wait3A_114 = tpu.memref_slice %arg5[%dma_wait3A_112, %dma_wait3A_113] : memref<16x32xi32, #tpu.memory_space<vmem>> -> memref<1x32xi32, #tpu.memory_space<vmem>>
    %dma_wait3A_115 = tpu.memref_squeeze %dma_wait3A_114 : memref<1x32xi32, #tpu.memory_space<vmem>> -> memref<32xi32, #tpu.memory_space<vmem>>
    %dma_wait3A_116 = arith.constant 0 : i32
    %dma_wait3A_117 = arith.constant 0 : i32
    %dma_wait3A_118 = tpu.memref_slice %arg2[%dma_wait3A_116, %dma_wait3A_117] : memref<16384x768xf32, #tpu.memory_space<hbm>> -> memref<16384x768xf32, #tpu.memory_space<hbm>>
    tpu.wait_indirect_dma semaphore(%arg14 : memref<!tpu.dma_semaphore, #tpu.memory_space<semaphore_mem>>) src(%dma_wait3A_118 : memref<16384x768xf32, #tpu.memory_space<hbm>>) dst(%arg9 : memref<32x768xf32, #tpu.memory_space<vmem>>)
    %add3A_119 = arith.constant 96 : i32
    %add3A_120 = arith.addi %mul3A_2, %add3A_119 : i32
    %dma_start3A_121 = arith.constant 0 : i32
    %dma_start3A_122 = tpu.memref_slice %arg4[%add3A_120, %dma_start3A_121] : memref<16384x768xf32, #tpu.memory_space<hbm>> -> memref<32x768xf32, #tpu.memory_space<hbm>>
    %dma_start3A_123 = arith.constant 0 : i32
    %dma_start3A_124 = tpu.memref_slice %arg4[%add3A_120, %dma_start3A_123] : memref<16384x768xf32, #tpu.memory_space<hbm>> -> memref<32x768xf32, #tpu.memory_space<hbm>>
    tpu.enqueue_dma source(%arg9 : memref<32x768xf32, #tpu.memory_space<vmem>>) target(%dma_start3A_124 : memref<32x768xf32, #tpu.memory_space<hbm>>) target_semaphore(%arg19 : memref<!tpu.dma_semaphore, #tpu.memory_space<semaphore_mem>>)
    %dma_wait3A_125 = arith.constant 0 : i32
    %dma_wait3A_126 = tpu.memref_slice %arg4[%add3A_120, %dma_wait3A_125] : memref<16384x768xf32, #tpu.memory_space<hbm>> -> memref<32x768xf32, #tpu.memory_space<hbm>>
    %dma_wait3A_127 = arith.constant 0 : i32
    %dma_wait3A_128 = tpu.memref_slice %arg4[%add3A_120, %dma_wait3A_127] : memref<16384x768xf32, #tpu.memory_space<hbm>> -> memref<32x768xf32, #tpu.memory_space<hbm>>
    tpu.wait_dma2 semaphore(%arg19 : memref<!tpu.dma_semaphore, #tpu.memory_space<semaphore_mem>>) src(%arg9 : memref<32x768xf32, #tpu.memory_space<vmem>>) dst(%dma_wait3A_128 : memref<32x768xf32, #tpu.memory_space<hbm>>)
    %add3A_129 = arith.constant 256 : i32
    %add3A_130 = arith.addi %mul3A_2, %add3A_129 : i32
    %dma_start3A_131 = arith.constant 0 : i32
    %dma_start3A_132 = tpu.memref_slice %arg2[%add3A_130, %dma_start3A_131] : memref<16384x768xf32, #tpu.memory_space<hbm>> -> memref<32x768xf32, #tpu.memory_space<hbm>>
    %dma_start3A_133 = arith.constant 0 : i32
    %dma_start3A_134 = tpu.memref_slice %arg2[%add3A_130, %dma_start3A_133] : memref<16384x768xf32, #tpu.memory_space<hbm>> -> memref<32x768xf32, #tpu.memory_space<hbm>>
    tpu.enqueue_dma source(%dma_start3A_134 : memref<32x768xf32, #tpu.memory_space<hbm>>) target(%arg9 : memref<32x768xf32, #tpu.memory_space<vmem>>) target_semaphore(%arg14 : memref<!tpu.dma_semaphore, #tpu.memory_space<semaphore_mem>>)
    %dma_wait3A_135 = arith.constant 0 : i32
    %dma_wait3A_136 = tpu.memref_slice %arg2[%add3A_42, %dma_wait3A_135] : memref<16384x768xf32, #tpu.memory_space<hbm>> -> memref<32x768xf32, #tpu.memory_space<hbm>>
    %dma_wait3A_137 = arith.constant 0 : i32
    %dma_wait3A_138 = tpu.memref_slice %arg2[%add3A_42, %dma_wait3A_137] : memref<16384x768xf32, #tpu.memory_space<hbm>> -> memref<32x768xf32, #tpu.memory_space<hbm>>
    tpu.wait_dma2 semaphore(%arg15 : memref<!tpu.dma_semaphore, #tpu.memory_space<semaphore_mem>>) src(%dma_wait3A_138 : memref<32x768xf32, #tpu.memory_space<hbm>>) dst(%arg10 : memref<32x768xf32, #tpu.memory_space<vmem>>)
    %add3A_139 = arith.constant 128 : i32
    %add3A_140 = arith.addi %mul3A_2, %add3A_139 : i32
    %dma_start3A_141 = arith.constant 0 : i32
    %dma_start3A_142 = tpu.memref_slice %arg4[%add3A_140, %dma_start3A_141] : memref<16384x768xf32, #tpu.memory_space<hbm>> -> memref<32x768xf32, #tpu.memory_space<hbm>>
    %dma_start3A_143 = arith.constant 0 : i32
    %dma_start3A_144 = tpu.memref_slice %arg4[%add3A_140, %dma_start3A_143] : memref<16384x768xf32, #tpu.memory_space<hbm>> -> memref<32x768xf32, #tpu.memory_space<hbm>>
    tpu.enqueue_dma source(%arg10 : memref<32x768xf32, #tpu.memory_space<vmem>>) target(%dma_start3A_144 : memref<32x768xf32, #tpu.memory_space<hbm>>) target_semaphore(%arg20 : memref<!tpu.dma_semaphore, #tpu.memory_space<semaphore_mem>>)
    %dma_wait3A_145 = arith.constant 0 : i32
    %dma_wait3A_146 = tpu.memref_slice %arg4[%add3A_140, %dma_wait3A_145] : memref<16384x768xf32, #tpu.memory_space<hbm>> -> memref<32x768xf32, #tpu.memory_space<hbm>>
    %dma_wait3A_147 = arith.constant 0 : i32
    %dma_wait3A_148 = tpu.memref_slice %arg4[%add3A_140, %dma_wait3A_147] : memref<16384x768xf32, #tpu.memory_space<hbm>> -> memref<32x768xf32, #tpu.memory_space<hbm>>
    tpu.wait_dma2 semaphore(%arg20 : memref<!tpu.dma_semaphore, #tpu.memory_space<semaphore_mem>>) src(%arg10 : memref<32x768xf32, #tpu.memory_space<vmem>>) dst(%dma_wait3A_148 : memref<32x768xf32, #tpu.memory_space<hbm>>)
    %dma_start3A_149 = arith.constant 9 : i32
    %dma_start3A_150 = arith.constant 0 : i32
    %dma_start3A_151 = tpu.memref_slice %arg5[%dma_start3A_149, %dma_start3A_150] : memref<16x32xi32, #tpu.memory_space<vmem>> -> memref<1x32xi32, #tpu.memory_space<vmem>>
    %dma_start3A_152 = tpu.memref_squeeze %dma_start3A_151 : memref<1x32xi32, #tpu.memory_space<vmem>> -> memref<32xi32, #tpu.memory_space<vmem>>
    %dma_start3A_153 = arith.constant 0 : i32
    %dma_start3A_154 = arith.constant 0 : i32
    %dma_start3A_155 = tpu.memref_slice %arg2[%dma_start3A_153, %dma_start3A_154] : memref<16384x768xf32, #tpu.memory_space<hbm>> -> memref<16384x768xf32, #tpu.memory_space<hbm>>
    tpu.enqueue_indirect_dma source(%dma_start3A_155 : memref<16384x768xf32, #tpu.memory_space<hbm>>) target(%arg10 : memref<32x768xf32, #tpu.memory_space<vmem>>) offsets(%dma_start3A_152 : memref<32xi32, #tpu.memory_space<vmem>>) semaphore(%arg15 : memref<!tpu.dma_semaphore, #tpu.memory_space<semaphore_mem>>)
    %dma_wait3A_156 = arith.constant 5 : i32
    %dma_wait3A_157 = arith.constant 0 : i32
    %dma_wait3A_158 = tpu.memref_slice %arg5[%dma_wait3A_156, %dma_wait3A_157] : memref<16x32xi32, #tpu.memory_space<vmem>> -> memref<1x32xi32, #tpu.memory_space<vmem>>
    %dma_wait3A_159 = tpu.memref_squeeze %dma_wait3A_158 : memref<1x32xi32, #tpu.memory_space<vmem>> -> memref<32xi32, #tpu.memory_space<vmem>>
    %dma_wait3A_160 = arith.constant 0 : i32
    %dma_wait3A_161 = arith.constant 0 : i32
    %dma_wait3A_162 = tpu.memref_slice %arg2[%dma_wait3A_160, %dma_wait3A_161] : memref<16384x768xf32, #tpu.memory_space<hbm>> -> memref<16384x768xf32, #tpu.memory_space<hbm>>
    tpu.wait_indirect_dma semaphore(%arg11 : memref<!tpu.dma_semaphore, #tpu.memory_space<semaphore_mem>>) src(%dma_wait3A_162 : memref<16384x768xf32, #tpu.memory_space<hbm>>) dst(%arg6 : memref<32x768xf32, #tpu.memory_space<vmem>>)
    %add3A_163 = arith.constant 160 : i32
    %add3A_164 = arith.addi %mul3A_2, %add3A_163 : i32
    %dma_start3A_165 = arith.constant 0 : i32
    %dma_start3A_166 = tpu.memref_slice %arg4[%add3A_164, %dma_start3A_165] : memref<16384x768xf32, #tpu.memory_space<hbm>> -> memref<32x768xf32, #tpu.memory_space<hbm>>
    %dma_start3A_167 = arith.constant 0 : i32
    %dma_start3A_168 = tpu.memref_slice %arg4[%add3A_164, %dma_start3A_167] : memref<16384x768xf32, #tpu.memory_space<hbm>> -> memref<32x768xf32, #tpu.memory_space<hbm>>
    tpu.enqueue_dma source(%arg6 : memref<32x768xf32, #tpu.memory_space<vmem>>) target(%dma_start3A_168 : memref<32x768xf32, #tpu.memory_space<hbm>>) target_semaphore(%arg16 : memref<!tpu.dma_semaphore, #tpu.memory_space<semaphore_mem>>)
    %dma_wait3A_169 = arith.constant 0 : i32
    %dma_wait3A_170 = tpu.memref_slice %arg4[%add3A_164, %dma_wait3A_169] : memref<16384x768xf32, #tpu.memory_space<hbm>> -> memref<32x768xf32, #tpu.memory_space<hbm>>
    %dma_wait3A_171 = arith.constant 0 : i32
    %dma_wait3A_172 = tpu.memref_slice %arg4[%add3A_164, %dma_wait3A_171] : memref<16384x768xf32, #tpu.memory_space<hbm>> -> memref<32x768xf32, #tpu.memory_space<hbm>>
    tpu.wait_dma2 semaphore(%arg16 : memref<!tpu.dma_semaphore, #tpu.memory_space<semaphore_mem>>) src(%arg6 : memref<32x768xf32, #tpu.memory_space<vmem>>) dst(%dma_wait3A_172 : memref<32x768xf32, #tpu.memory_space<hbm>>)
    %add3A_173 = arith.constant 320 : i32
    %add3A_174 = arith.addi %mul3A_2, %add3A_173 : i32
    %dma_start3A_175 = arith.constant 0 : i32
    %dma_start3A_176 = tpu.memref_slice %arg2[%add3A_174, %dma_start3A_175] : memref<16384x768xf32, #tpu.memory_space<hbm>> -> memref<32x768xf32, #tpu.memory_space<hbm>>
    %dma_start3A_177 = arith.constant 0 : i32
    %dma_start3A_178 = tpu.memref_slice %arg2[%add3A_174, %dma_start3A_177] : memref<16384x768xf32, #tpu.memory_space<hbm>> -> memref<32x768xf32, #tpu.memory_space<hbm>>
    tpu.enqueue_dma source(%dma_start3A_178 : memref<32x768xf32, #tpu.memory_space<hbm>>) target(%arg6 : memref<32x768xf32, #tpu.memory_space<vmem>>) target_semaphore(%arg11 : memref<!tpu.dma_semaphore, #tpu.memory_space<semaphore_mem>>)
    %dma_wait3A_179 = arith.constant 0 : i32
    %dma_wait3A_180 = tpu.memref_slice %arg2[%add3A_86, %dma_wait3A_179] : memref<16384x768xf32, #tpu.memory_space<hbm>> -> memref<32x768xf32, #tpu.memory_space<hbm>>
    %dma_wait3A_181 = arith.constant 0 : i32
    %dma_wait3A_182 = tpu.memref_slice %arg2[%add3A_86, %dma_wait3A_181] : memref<16384x768xf32, #tpu.memory_space<hbm>> -> memref<32x768xf32, #tpu.memory_space<hbm>>
    tpu.wait_dma2 semaphore(%arg12 : memref<!tpu.dma_semaphore, #tpu.memory_space<semaphore_mem>>) src(%dma_wait3A_182 : memref<32x768xf32, #tpu.memory_space<hbm>>) dst(%arg7 : memref<32x768xf32, #tpu.memory_space<vmem>>)
    %add3A_183 = arith.constant 192 : i32
    %add3A_184 = arith.addi %mul3A_2, %add3A_183 : i32
    %dma_start3A_185 = arith.constant 0 : i32
    %dma_start3A_186 = tpu.memref_slice %arg4[%add3A_184, %dma_start3A_185] : memref<16384x768xf32, #tpu.memory_space<hbm>> -> memref<32x768xf32, #tpu.memory_space<hbm>>
    %dma_start3A_187 = arith.constant 0 : i32
    %dma_start3A_188 = tpu.memref_slice %arg4[%add3A_184, %dma_start3A_187] : memref<16384x768xf32, #tpu.memory_space<hbm>> -> memref<32x768xf32, #tpu.memory_space<hbm>>
    tpu.enqueue_dma source(%arg7 : memref<32x768xf32, #tpu.memory_space<vmem>>) target(%dma_start3A_188 : memref<32x768xf32, #tpu.memory_space<hbm>>) target_semaphore(%arg17 : memref<!tpu.dma_semaphore, #tpu.memory_space<semaphore_mem>>)
    %dma_wait3A_189 = arith.constant 0 : i32
    %dma_wait3A_190 = tpu.memref_slice %arg4[%add3A_184, %dma_wait3A_189] : memref<16384x768xf32, #tpu.memory_space<hbm>> -> memref<32x768xf32, #tpu.memory_space<hbm>>
    %dma_wait3A_191 = arith.constant 0 : i32
    %dma_wait3A_192 = tpu.memref_slice %arg4[%add3A_184, %dma_wait3A_191] : memref<16384x768xf32, #tpu.memory_space<hbm>> -> memref<32x768xf32, #tpu.memory_space<hbm>>
    tpu.wait_dma2 semaphore(%arg17 : memref<!tpu.dma_semaphore, #tpu.memory_space<semaphore_mem>>) src(%arg7 : memref<32x768xf32, #tpu.memory_space<vmem>>) dst(%dma_wait3A_192 : memref<32x768xf32, #tpu.memory_space<hbm>>)
    %dma_start3A_193 = arith.constant 11 : i32
    %dma_start3A_194 = arith.constant 0 : i32
    %dma_start3A_195 = tpu.memref_slice %arg5[%dma_start3A_193, %dma_start3A_194] : memref<16x32xi32, #tpu.memory_space<vmem>> -> memref<1x32xi32, #tpu.memory_space<vmem>>
    %dma_start3A_196 = tpu.memref_squeeze %dma_start3A_195 : memref<1x32xi32, #tpu.memory_space<vmem>> -> memref<32xi32, #tpu.memory_space<vmem>>
    %dma_start3A_197 = arith.constant 0 : i32
    %dma_start3A_198 = arith.constant 0 : i32
    %dma_start3A_199 = tpu.memref_slice %arg2[%dma_start3A_197, %dma_start3A_198] : memref<16384x768xf32, #tpu.memory_space<hbm>> -> memref<16384x768xf32, #tpu.memory_space<hbm>>
    tpu.enqueue_indirect_dma source(%dma_start3A_199 : memref<16384x768xf32, #tpu.memory_space<hbm>>) target(%arg7 : memref<32x768xf32, #tpu.memory_space<vmem>>) offsets(%dma_start3A_196 : memref<32xi32, #tpu.memory_space<vmem>>) semaphore(%arg12 : memref<!tpu.dma_semaphore, #tpu.memory_space<semaphore_mem>>)
    %dma_wait3A_200 = arith.constant 7 : i32
    %dma_wait3A_201 = arith.constant 0 : i32
    %dma_wait3A_202 = tpu.memref_slice %arg5[%dma_wait3A_200, %dma_wait3A_201] : memref<16x32xi32, #tpu.memory_space<vmem>> -> memref<1x32xi32, #tpu.memory_space<vmem>>
    %dma_wait3A_203 = tpu.memref_squeeze %dma_wait3A_202 : memref<1x32xi32, #tpu.memory_space<vmem>> -> memref<32xi32, #tpu.memory_space<vmem>>
    %dma_wait3A_204 = arith.constant 0 : i32
    %dma_wait3A_205 = arith.constant 0 : i32
    %dma_wait3A_206 = tpu.memref_slice %arg2[%dma_wait3A_204, %dma_wait3A_205] : memref<16384x768xf32, #tpu.memory_space<hbm>> -> memref<16384x768xf32, #tpu.memory_space<hbm>>
    tpu.wait_indirect_dma semaphore(%arg13 : memref<!tpu.dma_semaphore, #tpu.memory_space<semaphore_mem>>) src(%dma_wait3A_206 : memref<16384x768xf32, #tpu.memory_space<hbm>>) dst(%arg8 : memref<32x768xf32, #tpu.memory_space<vmem>>)
    %add3A_207 = arith.constant 224 : i32
    %add3A_208 = arith.addi %mul3A_2, %add3A_207 : i32
    %dma_start3A_209 = arith.constant 0 : i32
    %dma_start3A_210 = tpu.memref_slice %arg4[%add3A_208, %dma_start3A_209] : memref<16384x768xf32, #tpu.memory_space<hbm>> -> memref<32x768xf32, #tpu.memory_space<hbm>>
    %dma_start3A_211 = arith.constant 0 : i32
    %dma_start3A_212 = tpu.memref_slice %arg4[%add3A_208, %dma_start3A_211] : memref<16384x768xf32, #tpu.memory_space<hbm>> -> memref<32x768xf32, #tpu.memory_space<hbm>>
    tpu.enqueue_dma source(%arg8 : memref<32x768xf32, #tpu.memory_space<vmem>>) target(%dma_start3A_212 : memref<32x768xf32, #tpu.memory_space<hbm>>) target_semaphore(%arg18 : memref<!tpu.dma_semaphore, #tpu.memory_space<semaphore_mem>>)
    %dma_wait3A_213 = arith.constant 0 : i32
    %dma_wait3A_214 = tpu.memref_slice %arg4[%add3A_208, %dma_wait3A_213] : memref<16384x768xf32, #tpu.memory_space<hbm>> -> memref<32x768xf32, #tpu.memory_space<hbm>>
    %dma_wait3A_215 = arith.constant 0 : i32
    %dma_wait3A_216 = tpu.memref_slice %arg4[%add3A_208, %dma_wait3A_215] : memref<16384x768xf32, #tpu.memory_space<hbm>> -> memref<32x768xf32, #tpu.memory_space<hbm>>
    tpu.wait_dma2 semaphore(%arg18 : memref<!tpu.dma_semaphore, #tpu.memory_space<semaphore_mem>>) src(%arg8 : memref<32x768xf32, #tpu.memory_space<vmem>>) dst(%dma_wait3A_216 : memref<32x768xf32, #tpu.memory_space<hbm>>)
    %add3A_217 = arith.constant 384 : i32
    %add3A_218 = arith.addi %mul3A_2, %add3A_217 : i32
    %dma_start3A_219 = arith.constant 0 : i32
    %dma_start3A_220 = tpu.memref_slice %arg2[%add3A_218, %dma_start3A_219] : memref<16384x768xf32, #tpu.memory_space<hbm>> -> memref<32x768xf32, #tpu.memory_space<hbm>>
    %dma_start3A_221 = arith.constant 0 : i32
    %dma_start3A_222 = tpu.memref_slice %arg2[%add3A_218, %dma_start3A_221] : memref<16384x768xf32, #tpu.memory_space<hbm>> -> memref<32x768xf32, #tpu.memory_space<hbm>>
    tpu.enqueue_dma source(%dma_start3A_222 : memref<32x768xf32, #tpu.memory_space<hbm>>) target(%arg8 : memref<32x768xf32, #tpu.memory_space<vmem>>) target_semaphore(%arg13 : memref<!tpu.dma_semaphore, #tpu.memory_space<semaphore_mem>>)
    %dma_wait3A_223 = arith.constant 0 : i32
    %dma_wait3A_224 = tpu.memref_slice %arg2[%add3A_130, %dma_wait3A_223] : memref<16384x768xf32, #tpu.memory_space<hbm>> -> memref<32x768xf32, #tpu.memory_space<hbm>>
    %dma_wait3A_225 = arith.constant 0 : i32
    %dma_wait3A_226 = tpu.memref_slice %arg2[%add3A_130, %dma_wait3A_225] : memref<16384x768xf32, #tpu.memory_space<hbm>> -> memref<32x768xf32, #tpu.memory_space<hbm>>
    tpu.wait_dma2 semaphore(%arg14 : memref<!tpu.dma_semaphore, #tpu.memory_space<semaphore_mem>>) src(%dma_wait3A_226 : memref<32x768xf32, #tpu.memory_space<hbm>>) dst(%arg9 : memref<32x768xf32, #tpu.memory_space<vmem>>)
    %add3A_227 = arith.constant 256 : i32
    %add3A_228 = arith.addi %mul3A_2, %add3A_227 : i32
    %dma_start3A_229 = arith.constant 0 : i32
    %dma_start3A_230 = tpu.memref_slice %arg4[%add3A_228, %dma_start3A_229] : memref<16384x768xf32, #tpu.memory_space<hbm>> -> memref<32x768xf32, #tpu.memory_space<hbm>>
    %dma_start3A_231 = arith.constant 0 : i32
    %dma_start3A_232 = tpu.memref_slice %arg4[%add3A_228, %dma_start3A_231] : memref<16384x768xf32, #tpu.memory_space<hbm>> -> memref<32x768xf32, #tpu.memory_space<hbm>>
    tpu.enqueue_dma source(%arg9 : memref<32x768xf32, #tpu.memory_space<vmem>>) target(%dma_start3A_232 : memref<32x768xf32, #tpu.memory_space<hbm>>) target_semaphore(%arg19 : memref<!tpu.dma_semaphore, #tpu.memory_space<semaphore_mem>>)
    %dma_wait3A_233 = arith.constant 0 : i32
    %dma_wait3A_234 = tpu.memref_slice %arg4[%add3A_228, %dma_wait3A_233] : memref<16384x768xf32, #tpu.memory_space<hbm>> -> memref<32x768xf32, #tpu.memory_space<hbm>>
    %dma_wait3A_235 = arith.constant 0 : i32
    %dma_wait3A_236 = tpu.memref_slice %arg4[%add3A_228, %dma_wait3A_235] : memref<16384x768xf32, #tpu.memory_space<hbm>> -> memref<32x768xf32, #tpu.memory_space<hbm>>
    tpu.wait_dma2 semaphore(%arg19 : memref<!tpu.dma_semaphore, #tpu.memory_space<semaphore_mem>>) src(%arg9 : memref<32x768xf32, #tpu.memory_space<vmem>>) dst(%dma_wait3A_236 : memref<32x768xf32, #tpu.memory_space<hbm>>)
    %dma_start3A_237 = arith.constant 13 : i32
    %dma_start3A_238 = arith.constant 0 : i32
    %dma_start3A_239 = tpu.memref_slice %arg5[%dma_start3A_237, %dma_start3A_238] : memref<16x32xi32, #tpu.memory_space<vmem>> -> memref<1x32xi32, #tpu.memory_space<vmem>>
    %dma_start3A_240 = tpu.memref_squeeze %dma_start3A_239 : memref<1x32xi32, #tpu.memory_space<vmem>> -> memref<32xi32, #tpu.memory_space<vmem>>
    %dma_start3A_241 = arith.constant 0 : i32
    %dma_start3A_242 = arith.constant 0 : i32
    %dma_start3A_243 = tpu.memref_slice %arg2[%dma_start3A_241, %dma_start3A_242] : memref<16384x768xf32, #tpu.memory_space<hbm>> -> memref<16384x768xf32, #tpu.memory_space<hbm>>
    tpu.enqueue_indirect_dma source(%dma_start3A_243 : memref<16384x768xf32, #tpu.memory_space<hbm>>) target(%arg9 : memref<32x768xf32, #tpu.memory_space<vmem>>) offsets(%dma_start3A_240 : memref<32xi32, #tpu.memory_space<vmem>>) semaphore(%arg14 : memref<!tpu.dma_semaphore, #tpu.memory_space<semaphore_mem>>)
    %dma_wait3A_244 = arith.constant 9 : i32
    %dma_wait3A_245 = arith.constant 0 : i32
    %dma_wait3A_246 = tpu.memref_slice %arg5[%dma_wait3A_244, %dma_wait3A_245] : memref<16x32xi32, #tpu.memory_space<vmem>> -> memref<1x32xi32, #tpu.memory_space<vmem>>
    %dma_wait3A_247 = tpu.memref_squeeze %dma_wait3A_246 : memref<1x32xi32, #tpu.memory_space<vmem>> -> memref<32xi32, #tpu.memory_space<vmem>>
    %dma_wait3A_248 = arith.constant 0 : i32
    %dma_wait3A_249 = arith.constant 0 : i32
    %dma_wait3A_250 = tpu.memref_slice %arg2[%dma_wait3A_248, %dma_wait3A_249] : memref<16384x768xf32, #tpu.memory_space<hbm>> -> memref<16384x768xf32, #tpu.memory_space<hbm>>
    tpu.wait_indirect_dma semaphore(%arg15 : memref<!tpu.dma_semaphore, #tpu.memory_space<semaphore_mem>>) src(%dma_wait3A_250 : memref<16384x768xf32, #tpu.memory_space<hbm>>) dst(%arg10 : memref<32x768xf32, #tpu.memory_space<vmem>>)
    %add3A_251 = arith.constant 288 : i32
    %add3A_252 = arith.addi %mul3A_2, %add3A_251 : i32
    %dma_start3A_253 = arith.constant 0 : i32
    %dma_start3A_254 = tpu.memref_slice %arg4[%add3A_252, %dma_start3A_253] : memref<16384x768xf32, #tpu.memory_space<hbm>> -> memref<32x768xf32, #tpu.memory_space<hbm>>
    %dma_start3A_255 = arith.constant 0 : i32
    %dma_start3A_256 = tpu.memref_slice %arg4[%add3A_252, %dma_start3A_255] : memref<16384x768xf32, #tpu.memory_space<hbm>> -> memref<32x768xf32, #tpu.memory_space<hbm>>
    tpu.enqueue_dma source(%arg10 : memref<32x768xf32, #tpu.memory_space<vmem>>) target(%dma_start3A_256 : memref<32x768xf32, #tpu.memory_space<hbm>>) target_semaphore(%arg20 : memref<!tpu.dma_semaphore, #tpu.memory_space<semaphore_mem>>)
    %dma_wait3A_257 = arith.constant 0 : i32
    %dma_wait3A_258 = tpu.memref_slice %arg4[%add3A_252, %dma_wait3A_257] : memref<16384x768xf32, #tpu.memory_space<hbm>> -> memref<32x768xf32, #tpu.memory_space<hbm>>
    %dma_wait3A_259 = arith.constant 0 : i32
    %dma_wait3A_260 = tpu.memref_slice %arg4[%add3A_252, %dma_wait3A_259] : memref<16384x768xf32, #tpu.memory_space<hbm>> -> memref<32x768xf32, #tpu.memory_space<hbm>>
    tpu.wait_dma2 semaphore(%arg20 : memref<!tpu.dma_semaphore, #tpu.memory_space<semaphore_mem>>) src(%arg10 : memref<32x768xf32, #tpu.memory_space<vmem>>) dst(%dma_wait3A_260 : memref<32x768xf32, #tpu.memory_space<hbm>>)
    %add3A_261 = arith.constant 448 : i32
    %add3A_262 = arith.addi %mul3A_2, %add3A_261 : i32
    %dma_start3A_263 = arith.constant 0 : i32
    %dma_start3A_264 = tpu.memref_slice %arg2[%add3A_262, %dma_start3A_263] : memref<16384x768xf32, #tpu.memory_space<hbm>> -> memref<32x768xf32, #tpu.memory_space<hbm>>
    %dma_start3A_265 = arith.constant 0 : i32
    %dma_start3A_266 = tpu.memref_slice %arg2[%add3A_262, %dma_start3A_265] : memref<16384x768xf32, #tpu.memory_space<hbm>> -> memref<32x768xf32, #tpu.memory_space<hbm>>
    tpu.enqueue_dma source(%dma_start3A_266 : memref<32x768xf32, #tpu.memory_space<hbm>>) target(%arg10 : memref<32x768xf32, #tpu.memory_space<vmem>>) target_semaphore(%arg15 : memref<!tpu.dma_semaphore, #tpu.memory_space<semaphore_mem>>)
    %dma_wait3A_267 = arith.constant 0 : i32
    %dma_wait3A_268 = tpu.memref_slice %arg2[%add3A_174, %dma_wait3A_267] : memref<16384x768xf32, #tpu.memory_space<hbm>> -> memref<32x768xf32, #tpu.memory_space<hbm>>
    %dma_wait3A_269 = arith.constant 0 : i32
    %dma_wait3A_270 = tpu.memref_slice %arg2[%add3A_174, %dma_wait3A_269] : memref<16384x768xf32, #tpu.memory_space<hbm>> -> memref<32x768xf32, #tpu.memory_space<hbm>>
    tpu.wait_dma2 semaphore(%arg11 : memref<!tpu.dma_semaphore, #tpu.memory_space<semaphore_mem>>) src(%dma_wait3A_270 : memref<32x768xf32, #tpu.memory_space<hbm>>) dst(%arg6 : memref<32x768xf32, #tpu.memory_space<vmem>>)
    %add3A_271 = arith.constant 320 : i32
    %add3A_272 = arith.addi %mul3A_2, %add3A_271 : i32
    %dma_start3A_273 = arith.constant 0 : i32
    %dma_start3A_274 = tpu.memref_slice %arg4[%add3A_272, %dma_start3A_273] : memref<16384x768xf32, #tpu.memory_space<hbm>> -> memref<32x768xf32, #tpu.memory_space<hbm>>
    %dma_start3A_275 = arith.constant 0 : i32
    %dma_start3A_276 = tpu.memref_slice %arg4[%add3A_272, %dma_start3A_275] : memref<16384x768xf32, #tpu.memory_space<hbm>> -> memref<32x768xf32, #tpu.memory_space<hbm>>
    tpu.enqueue_dma source(%arg6 : memref<32x768xf32, #tpu.memory_space<vmem>>) target(%dma_start3A_276 : memref<32x768xf32, #tpu.memory_space<hbm>>) target_semaphore(%arg16 : memref<!tpu.dma_semaphore, #tpu.memory_space<semaphore_mem>>)
    %dma_wait3A_277 = arith.constant 0 : i32
    %dma_wait3A_278 = tpu.memref_slice %arg4[%add3A_272, %dma_wait3A_277] : memref<16384x768xf32, #tpu.memory_space<hbm>> -> memref<32x768xf32, #tpu.memory_space<hbm>>
    %dma_wait3A_279 = arith.constant 0 : i32
    %dma_wait3A_280 = tpu.memref_slice %arg4[%add3A_272, %dma_wait3A_279] : memref<16384x768xf32, #tpu.memory_space<hbm>> -> memref<32x768xf32, #tpu.memory_space<hbm>>
    tpu.wait_dma2 semaphore(%arg16 : memref<!tpu.dma_semaphore, #tpu.memory_space<semaphore_mem>>) src(%arg6 : memref<32x768xf32, #tpu.memory_space<vmem>>) dst(%dma_wait3A_280 : memref<32x768xf32, #tpu.memory_space<hbm>>)
    %dma_start3A_281 = arith.constant 15 : i32
    %dma_start3A_282 = arith.constant 0 : i32
    %dma_start3A_283 = tpu.memref_slice %arg5[%dma_start3A_281, %dma_start3A_282] : memref<16x32xi32, #tpu.memory_space<vmem>> -> memref<1x32xi32, #tpu.memory_space<vmem>>
    %dma_start3A_284 = tpu.memref_squeeze %dma_start3A_283 : memref<1x32xi32, #tpu.memory_space<vmem>> -> memref<32xi32, #tpu.memory_space<vmem>>
    %dma_start3A_285 = arith.constant 0 : i32
    %dma_start3A_286 = arith.constant 0 : i32
    %dma_start3A_287 = tpu.memref_slice %arg2[%dma_start3A_285, %dma_start3A_286] : memref<16384x768xf32, #tpu.memory_space<hbm>> -> memref<16384x768xf32, #tpu.memory_space<hbm>>
    tpu.enqueue_indirect_dma source(%dma_start3A_287 : memref<16384x768xf32, #tpu.memory_space<hbm>>) target(%arg6 : memref<32x768xf32, #tpu.memory_space<vmem>>) offsets(%dma_start3A_284 : memref<32xi32, #tpu.memory_space<vmem>>) semaphore(%arg11 : memref<!tpu.dma_semaphore, #tpu.memory_space<semaphore_mem>>)
    %dma_wait3A_288 = arith.constant 11 : i32
    %dma_wait3A_289 = arith.constant 0 : i32
    %dma_wait3A_290 = tpu.memref_slice %arg5[%dma_wait3A_288, %dma_wait3A_289] : memref<16x32xi32, #tpu.memory_space<vmem>> -> memref<1x32xi32, #tpu.memory_space<vmem>>
    %dma_wait3A_291 = tpu.memref_squeeze %dma_wait3A_290 : memref<1x32xi32, #tpu.memory_space<vmem>> -> memref<32xi32, #tpu.memory_space<vmem>>
    %dma_wait3A_292 = arith.constant 0 : i32
    %dma_wait3A_293 = arith.constant 0 : i32
    %dma_wait3A_294 = tpu.memref_slice %arg2[%dma_wait3A_292, %dma_wait3A_293] : memref<16384x768xf32, #tpu.memory_space<hbm>> -> memref<16384x768xf32, #tpu.memory_space<hbm>>
    tpu.wait_indirect_dma semaphore(%arg12 : memref<!tpu.dma_semaphore, #tpu.memory_space<semaphore_mem>>) src(%dma_wait3A_294 : memref<16384x768xf32, #tpu.memory_space<hbm>>) dst(%arg7 : memref<32x768xf32, #tpu.memory_space<vmem>>)
    %add3A_295 = arith.constant 352 : i32
    %add3A_296 = arith.addi %mul3A_2, %add3A_295 : i32
    %dma_start3A_297 = arith.constant 0 : i32
    %dma_start3A_298 = tpu.memref_slice %arg4[%add3A_296, %dma_start3A_297] : memref<16384x768xf32, #tpu.memory_space<hbm>> -> memref<32x768xf32, #tpu.memory_space<hbm>>
    %dma_start3A_299 = arith.constant 0 : i32
    %dma_start3A_300 = tpu.memref_slice %arg4[%add3A_296, %dma_start3A_299] : memref<16384x768xf32, #tpu.memory_space<hbm>> -> memref<32x768xf32, #tpu.memory_space<hbm>>
    tpu.enqueue_dma source(%arg7 : memref<32x768xf32, #tpu.memory_space<vmem>>) target(%dma_start3A_300 : memref<32x768xf32, #tpu.memory_space<hbm>>) target_semaphore(%arg17 : memref<!tpu.dma_semaphore, #tpu.memory_space<semaphore_mem>>)
    %dma_wait3A_301 = arith.constant 0 : i32
    %dma_wait3A_302 = tpu.memref_slice %arg2[%add3A_218, %dma_wait3A_301] : memref<16384x768xf32, #tpu.memory_space<hbm>> -> memref<32x768xf32, #tpu.memory_space<hbm>>
    %dma_wait3A_303 = arith.constant 0 : i32
    %dma_wait3A_304 = tpu.memref_slice %arg2[%add3A_218, %dma_wait3A_303] : memref<16384x768xf32, #tpu.memory_space<hbm>> -> memref<32x768xf32, #tpu.memory_space<hbm>>
    tpu.wait_dma2 semaphore(%arg13 : memref<!tpu.dma_semaphore, #tpu.memory_space<semaphore_mem>>) src(%dma_wait3A_304 : memref<32x768xf32, #tpu.memory_space<hbm>>) dst(%arg8 : memref<32x768xf32, #tpu.memory_space<vmem>>)
    %add3A_305 = arith.constant 384 : i32
    %add3A_306 = arith.addi %mul3A_2, %add3A_305 : i32
    %dma_start3A_307 = arith.constant 0 : i32
    %dma_start3A_308 = tpu.memref_slice %arg4[%add3A_306, %dma_start3A_307] : memref<16384x768xf32, #tpu.memory_space<hbm>> -> memref<32x768xf32, #tpu.memory_space<hbm>>
    %dma_start3A_309 = arith.constant 0 : i32
    %dma_start3A_310 = tpu.memref_slice %arg4[%add3A_306, %dma_start3A_309] : memref<16384x768xf32, #tpu.memory_space<hbm>> -> memref<32x768xf32, #tpu.memory_space<hbm>>
    tpu.enqueue_dma source(%arg8 : memref<32x768xf32, #tpu.memory_space<vmem>>) target(%dma_start3A_310 : memref<32x768xf32, #tpu.memory_space<hbm>>) target_semaphore(%arg18 : memref<!tpu.dma_semaphore, #tpu.memory_space<semaphore_mem>>)
    %dma_wait3A_311 = arith.constant 13 : i32
    %dma_wait3A_312 = arith.constant 0 : i32
    %dma_wait3A_313 = tpu.memref_slice %arg5[%dma_wait3A_311, %dma_wait3A_312] : memref<16x32xi32, #tpu.memory_space<vmem>> -> memref<1x32xi32, #tpu.memory_space<vmem>>
    %dma_wait3A_314 = tpu.memref_squeeze %dma_wait3A_313 : memref<1x32xi32, #tpu.memory_space<vmem>> -> memref<32xi32, #tpu.memory_space<vmem>>
    %dma_wait3A_315 = arith.constant 0 : i32
    %dma_wait3A_316 = arith.constant 0 : i32
    %dma_wait3A_317 = tpu.memref_slice %arg2[%dma_wait3A_315, %dma_wait3A_316] : memref<16384x768xf32, #tpu.memory_space<hbm>> -> memref<16384x768xf32, #tpu.memory_space<hbm>>
    tpu.wait_indirect_dma semaphore(%arg14 : memref<!tpu.dma_semaphore, #tpu.memory_space<semaphore_mem>>) src(%dma_wait3A_317 : memref<16384x768xf32, #tpu.memory_space<hbm>>) dst(%arg9 : memref<32x768xf32, #tpu.memory_space<vmem>>)
    %add3A_318 = arith.constant 416 : i32
    %add3A_319 = arith.addi %mul3A_2, %add3A_318 : i32
    %dma_start3A_320 = arith.constant 0 : i32
    %dma_start3A_321 = tpu.memref_slice %arg4[%add3A_319, %dma_start3A_320] : memref<16384x768xf32, #tpu.memory_space<hbm>> -> memref<32x768xf32, #tpu.memory_space<hbm>>
    %dma_start3A_322 = arith.constant 0 : i32
    %dma_start3A_323 = tpu.memref_slice %arg4[%add3A_319, %dma_start3A_322] : memref<16384x768xf32, #tpu.memory_space<hbm>> -> memref<32x768xf32, #tpu.memory_space<hbm>>
    tpu.enqueue_dma source(%arg9 : memref<32x768xf32, #tpu.memory_space<vmem>>) target(%dma_start3A_323 : memref<32x768xf32, #tpu.memory_space<hbm>>) target_semaphore(%arg19 : memref<!tpu.dma_semaphore, #tpu.memory_space<semaphore_mem>>)
    %dma_wait3A_324 = arith.constant 0 : i32
    %dma_wait3A_325 = tpu.memref_slice %arg2[%add3A_262, %dma_wait3A_324] : memref<16384x768xf32, #tpu.memory_space<hbm>> -> memref<32x768xf32, #tpu.memory_space<hbm>>
    %dma_wait3A_326 = arith.constant 0 : i32
    %dma_wait3A_327 = tpu.memref_slice %arg2[%add3A_262, %dma_wait3A_326] : memref<16384x768xf32, #tpu.memory_space<hbm>> -> memref<32x768xf32, #tpu.memory_space<hbm>>
    tpu.wait_dma2 semaphore(%arg15 : memref<!tpu.dma_semaphore, #tpu.memory_space<semaphore_mem>>) src(%dma_wait3A_327 : memref<32x768xf32, #tpu.memory_space<hbm>>) dst(%arg10 : memref<32x768xf32, #tpu.memory_space<vmem>>)
    %add3A_328 = arith.constant 448 : i32
    %add3A_329 = arith.addi %mul3A_2, %add3A_328 : i32
    %dma_start3A_330 = arith.constant 0 : i32
    %dma_start3A_331 = tpu.memref_slice %arg4[%add3A_329, %dma_start3A_330] : memref<16384x768xf32, #tpu.memory_space<hbm>> -> memref<32x768xf32, #tpu.memory_space<hbm>>
    %dma_start3A_332 = arith.constant 0 : i32
    %dma_start3A_333 = tpu.memref_slice %arg4[%add3A_329, %dma_start3A_332] : memref<16384x768xf32, #tpu.memory_space<hbm>> -> memref<32x768xf32, #tpu.memory_space<hbm>>
    tpu.enqueue_dma source(%arg10 : memref<32x768xf32, #tpu.memory_space<vmem>>) target(%dma_start3A_333 : memref<32x768xf32, #tpu.memory_space<hbm>>) target_semaphore(%arg20 : memref<!tpu.dma_semaphore, #tpu.memory_space<semaphore_mem>>)
    %dma_wait3A_334 = arith.constant 15 : i32
    %dma_wait3A_335 = arith.constant 0 : i32
    %dma_wait3A_336 = tpu.memref_slice %arg5[%dma_wait3A_334, %dma_wait3A_335] : memref<16x32xi32, #tpu.memory_space<vmem>> -> memref<1x32xi32, #tpu.memory_space<vmem>>
    %dma_wait3A_337 = tpu.memref_squeeze %dma_wait3A_336 : memref<1x32xi32, #tpu.memory_space<vmem>> -> memref<32xi32, #tpu.memory_space<vmem>>
    %dma_wait3A_338 = arith.constant 0 : i32
    %dma_wait3A_339 = arith.constant 0 : i32
    %dma_wait3A_340 = tpu.memref_slice %arg2[%dma_wait3A_338, %dma_wait3A_339] : memref<16384x768xf32, #tpu.memory_space<hbm>> -> memref<16384x768xf32, #tpu.memory_space<hbm>>
    tpu.wait_indirect_dma semaphore(%arg11 : memref<!tpu.dma_semaphore, #tpu.memory_space<semaphore_mem>>) src(%dma_wait3A_340 : memref<16384x768xf32, #tpu.memory_space<hbm>>) dst(%arg6 : memref<32x768xf32, #tpu.memory_space<vmem>>)
    %add3A_341 = arith.constant 480 : i32
    %add3A_342 = arith.addi %mul3A_2, %add3A_341 : i32
    %dma_start3A_343 = arith.constant 0 : i32
    %dma_start3A_344 = tpu.memref_slice %arg4[%add3A_342, %dma_start3A_343] : memref<16384x768xf32, #tpu.memory_space<hbm>> -> memref<32x768xf32, #tpu.memory_space<hbm>>
    %dma_start3A_345 = arith.constant 0 : i32
    %dma_start3A_346 = tpu.memref_slice %arg4[%add3A_342, %dma_start3A_345] : memref<16384x768xf32, #tpu.memory_space<hbm>> -> memref<32x768xf32, #tpu.memory_space<hbm>>
    tpu.enqueue_dma source(%arg6 : memref<32x768xf32, #tpu.memory_space<vmem>>) target(%dma_start3A_346 : memref<32x768xf32, #tpu.memory_space<hbm>>) target_semaphore(%arg16 : memref<!tpu.dma_semaphore, #tpu.memory_space<semaphore_mem>>)
    %dma_wait3A_347 = arith.constant 0 : i32
    %dma_wait3A_348 = tpu.memref_slice %arg4[%add3A_296, %dma_wait3A_347] : memref<16384x768xf32, #tpu.memory_space<hbm>> -> memref<32x768xf32, #tpu.memory_space<hbm>>
    %dma_wait3A_349 = arith.constant 0 : i32
    %dma_wait3A_350 = tpu.memref_slice %arg4[%add3A_296, %dma_wait3A_349] : memref<16384x768xf32, #tpu.memory_space<hbm>> -> memref<32x768xf32, #tpu.memory_space<hbm>>
    tpu.wait_dma2 semaphore(%arg17 : memref<!tpu.dma_semaphore, #tpu.memory_space<semaphore_mem>>) src(%arg7 : memref<32x768xf32, #tpu.memory_space<vmem>>) dst(%dma_wait3A_350 : memref<32x768xf32, #tpu.memory_space<hbm>>)
    %dma_wait3A_351 = arith.constant 0 : i32
    %dma_wait3A_352 = tpu.memref_slice %arg4[%add3A_306, %dma_wait3A_351] : memref<16384x768xf32, #tpu.memory_space<hbm>> -> memref<32x768xf32, #tpu.memory_space<hbm>>
    %dma_wait3A_353 = arith.constant 0 : i32
    %dma_wait3A_354 = tpu.memref_slice %arg4[%add3A_306, %dma_wait3A_353] : memref<16384x768xf32, #tpu.memory_space<hbm>> -> memref<32x768xf32, #tpu.memory_space<hbm>>
    tpu.wait_dma2 semaphore(%arg18 : memref<!tpu.dma_semaphore, #tpu.memory_space<semaphore_mem>>) src(%arg8 : memref<32x768xf32, #tpu.memory_space<vmem>>) dst(%dma_wait3A_354 : memref<32x768xf32, #tpu.memory_space<hbm>>)
    %dma_wait3A_355 = arith.constant 0 : i32
    %dma_wait3A_356 = tpu.memref_slice %arg4[%add3A_319, %dma_wait3A_355] : memref<16384x768xf32, #tpu.memory_space<hbm>> -> memref<32x768xf32, #tpu.memory_space<hbm>>
    %dma_wait3A_357 = arith.constant 0 : i32
    %dma_wait3A_358 = tpu.memref_slice %arg4[%add3A_319, %dma_wait3A_357] : memref<16384x768xf32, #tpu.memory_space<hbm>> -> memref<32x768xf32, #tpu.memory_space<hbm>>
    tpu.wait_dma2 semaphore(%arg19 : memref<!tpu.dma_semaphore, #tpu.memory_space<semaphore_mem>>) src(%arg9 : memref<32x768xf32, #tpu.memory_space<vmem>>) dst(%dma_wait3A_358 : memref<32x768xf32, #tpu.memory_space<hbm>>)
    %dma_wait3A_359 = arith.constant 0 : i32
    %dma_wait3A_360 = tpu.memref_slice %arg4[%add3A_329, %dma_wait3A_359] : memref<16384x768xf32, #tpu.memory_space<hbm>> -> memref<32x768xf32, #tpu.memory_space<hbm>>
    %dma_wait3A_361 = arith.constant 0 : i32
    %dma_wait3A_362 = tpu.memref_slice %arg4[%add3A_329, %dma_wait3A_361] : memref<16384x768xf32, #tpu.memory_space<hbm>> -> memref<32x768xf32, #tpu.memory_space<hbm>>
    tpu.wait_dma2 semaphore(%arg20 : memref<!tpu.dma_semaphore, #tpu.memory_space<semaphore_mem>>) src(%arg10 : memref<32x768xf32, #tpu.memory_space<vmem>>) dst(%dma_wait3A_362 : memref<32x768xf32, #tpu.memory_space<hbm>>)
    %dma_wait3A_363 = arith.constant 0 : i32
    %dma_wait3A_364 = tpu.memref_slice %arg4[%add3A_342, %dma_wait3A_363] : memref<16384x768xf32, #tpu.memory_space<hbm>> -> memref<32x768xf32, #tpu.memory_space<hbm>>
    %dma_wait3A_365 = arith.constant 0 : i32
    %dma_wait3A_366 = tpu.memref_slice %arg4[%add3A_342, %dma_wait3A_365] : memref<16384x768xf32, #tpu.memory_space<hbm>> -> memref<32x768xf32, #tpu.memory_space<hbm>>
    tpu.wait_dma2 semaphore(%arg16 : memref<!tpu.dma_semaphore, #tpu.memory_space<semaphore_mem>>) src(%arg6 : memref<32x768xf32, #tpu.memory_space<vmem>>) dst(%dma_wait3A_366 : memref<32x768xf32, #tpu.memory_space<hbm>>)
    return
  }
}

</mosaic_0001>

<sc_bundles>
// kernel: kernel.3.cloned.1.call-start
scs
__scs_entry_jumppad:
0x0: {  	(pc) =	sbr.rel $0x88, $3  }
0x1: {  	(tag) =	ssettag $0x0;
	lr =	simm.s32 $0x1  }
0x2: {  	[smem:$0x3F9F] =	sst lr;
	_ =	strace $0xD0000000  }
0x3: {  	_ = 	snop  }
0x4: {  	_ = 	snop  }
0x5: {  	_ = 	snop  }
0x6: {  	_ = 	snop  }
0x7: {  	_ = 	snop  }
__scs_overlays_trampoline_lowered:
0x8: {  	[smem:$0x3FAE] =	sst s0  }
0x9: {  	[smem:$0x3FAF] =	sst s1  }
0xa: {  	[smem:$0x3FB0] =	sst s2  }
0xb: {  	[smem:$0x3FB1] =	sst s3  }
0xc: {  	[smem:$0x3FB2] =	sst s4  }
0xd: {  	[smem:$0x3FB3] =	sst s5  }
0xe: {  	[smem:$0x3FB4] =	sst s6  }
0xf: {  	[smem:$0x3FB5] =	sst s7  }
0x10: {  	[smem:$0x3FB6] =	sst s8  }
0x11: {  	[smem:$0x3FB7] =	sst s9;
	s0 =	simm.s32 @!p0 $0x0  }
0x12: {  	s1 =	sld [smem:$0x3F9D];
	s0 =	simm.s32 @p0 $0x1  }
0x13: {  	[smem:$0x3FB8] =	sst s0;
	s0 =	simm.s32 @!p1 $0x0  }
0x14: {  	s2 =	sld [smem:$0x3F9C];
	s0 =	simm.s32 @p1 $0x1  }
0x15: {  	[smem:$0x3FB9] =	sst s0;
	s0 =	simm.s32 @!p2 $0x0  }
0x16: {  	s3 =	sld [smem:$0x3FDB];
	s0 =	simm.s32 @p2 $0x1  }
0x17: {  	s4 =	simm.s32 $0x1BF5;
	[smem:$0x3FBB] =	sst s0  }
0x18: {  	s0 =	sld [smem:$0x3F9E];
	_ =	swait.ge [sflag:s4], $0x0  }
0x19: {  	s7 =	sld [smem:$0x3F9F]  }
0x1a: {  	s8 =	sadd.s32 $0xFFFFE003, lr  }
0x1b: {  	s9 =	sadd.s32 $0xFFFFFEF7, lr;
	s5 =	simm.s32 $0xFFFFFFFF;
	p2 =	slt.u32 s8, $0xFFFFF086  }
0x1c: {  	p1 =	slt.u32 s9, $0xF7A;
	s5 =	simm.s32 @!p2 $0x0  }
0x1d: {  	s5 =	simm.s32 @p1 $0x1;
	p0 =	seq.s32 s7, s2  }
0x1e: {  	s7 =	smul.u32 @!p0 $0xF7A, s2;
	p2 =	seq.s32 @!p0 s5, $0x0  }
0x1f: {  	s9 =	smul.u32 $0xF7A, s1;
	s8 =	simm.s32 @!p0 $0x1BF5;
	p2 =	por !p2, p0  }
0x20: {  	[sflag:s8] =	ssyncset.s32 @!p0 $0xFFFFF086;
	s6 =	sadd.s32 @!p0 s3, s7;
	s7 =	simm.s32 @!p0 $0x108  }
0x21: {  	s3 =	sadd.s32 s3, s9;
	s6 =	sadd.s32 @!p0 $0x88, s6;
	s7 =	simm.s32 @p2 $0x1082  }
0x22: {  	[simem:s7], [sflag:s8] =	dma.local @!p0 [hbm:s6], $0xF7A  }
0x23: {  	s9 =	sor.u32 $0xD0000000, s2;
	s6 =	simm.s32 $0x108;
	_ =	swait.ge @!p0 [sflag:s8], $0x0  }
0x24: {  	s3 =	sadd.s32 $0x88, s3;
	s6 =	simm.s32 @!p1 $0x1082;
	[sflag:s4] =	ssyncset.s32 $0xFFFFF086  }
0x25: {  	[simem:s6], [sflag:s4] =	dma.local [hbm:s3], $0xF7A  }
0x26: {  	[smem:$0x3F9F] =	sst s1;
	(tag) =	ssettag s2;
	_ =	strace s9  }
0x27: {  	s1 =	sld [smem:$0x3FAF]  }
0x28: {  	s2 =	sld [smem:$0x3FB0]  }
0x29: {  	s4 =	sld [smem:$0x3FB2]  }
0x2a: {  	p0 =	seq.s32 s5, $0x0;
	s5 =	sld [smem:$0x3FB3]  }
0x2b: {  	s6 =	sld [smem:$0x3FB4]  }
0x2c: {  	s7 =	sld [smem:$0x3FB5]  }
0x2d: {  	s3 =	simm.s32 $0x108;
	s8 =	sld [smem:$0x3FB6]  }
0x2e: {  	s3 =	simm.s32 @!p0 $0x1082;
	s9 =	sld [smem:$0x3FB7]  }
0x2f: {  	lr =	sadd.s32 s0, s3;
	s0 =	sld [smem:$0x3FAE]  }
0x30: {  	s3 =	sld [smem:$0x3FB1]  }
0x31: {  	[smem:$0x3FBA] =	sst s10  }
0x32: {  	s10 =	sld [smem:$0x3FB8];
	_ =	sdelay $0x3  }
0x33: {  	p0 =	seq.s32 s10, $0x1;
	s10 =	sld [smem:$0x3FBA];
	_ =	sdelay $0x3  }
0x34: {  	[smem:$0x3FBA] =	sst s10  }
0x35: {  	s10 =	sld [smem:$0x3FB9];
	_ =	sdelay $0x3  }
0x36: {  	p1 =	seq.s32 s10, $0x1;
	s10 =	sld [smem:$0x3FBA];
	_ =	sdelay $0x3  }
0x37: {  	[smem:$0x3FBA] =	sst s10  }
0x38: {  	s10 =	sld [smem:$0x3FBB]  }
0x39: {  	_ = 	snop;
	(pc) =	sbr.ind lr, $3  }
0x3a: {  	_ = 	snop  }
0x3b: {  	_ = 	snop  }
0x3c: {  	p2 =	seq.s32 s10, $0x1;
	s10 =	sld [smem:$0x3FBA]  }
0x3d: {  	_ =	shalt  }
0x3e: {  	_ =	shalt  }
0x3f: {  	_ =	shalt  }
0x40: {  	_ =	shalt  }
0x41: {  	_ =	shalt  }
0x42: {  	_ =	shalt  }
0x43: {  	_ =	shalt  }
0x44: {  	_ =	shalt  }
0x45: {  	_ =	shalt  }
0x46: {  	_ =	shalt  }
0x47: {  	_ =	shalt  }
0x48: {  	_ =	shalt  }
0x49: {  	_ =	shalt  }
0x4a: {  	_ =	shalt  }
0x4b: {  	_ =	shalt  }
0x4c: {  	_ =	shalt  }
0x4d: {  	_ =	shalt  }
0x4e: {  	_ =	shalt  }
0x4f: {  	_ =	shalt  }
0x50: {  	_ =	shalt  }
0x51: {  	_ =	shalt  }
0x52: {  	_ =	shalt  }
0x53: {  	_ =	shalt  }
0x54: {  	_ =	shalt  }
0x55: {  	_ =	shalt  }
0x56: {  	_ =	shalt  }
0x57: {  	_ =	shalt  }
0x58: {  	_ =	shalt  }
0x59: {  	_ =	shalt  }
0x5a: {  	_ =	shalt  }
0x5b: {  	_ =	shalt  }
0x5c: {  	_ =	shalt  }
0x5d: {  	_ =	shalt  }
0x5e: {  	_ =	shalt  }
0x5f: {  	_ =	shalt  }
0x60: {  	_ =	shalt  }
0x61: {  	_ =	shalt  }
0x62: {  	_ =	shalt  }
0x63: {  	_ =	shalt  }
0x64: {  	_ =	shalt  }
0x65: {  	_ =	shalt  }
0x66: {  	_ =	shalt  }
0x67: {  	_ =	shalt  }
0x68: {  	_ =	shalt  }
0x69: {  	_ =	shalt  }
0x6a: {  	_ =	shalt  }
0x6b: {  	_ =	shalt  }
0x6c: {  	_ =	shalt  }
0x6d: {  	_ =	shalt  }
0x6e: {  	_ =	shalt  }
0x6f: {  	_ =	shalt  }
0x70: {  	_ =	shalt  }
0x71: {  	_ =	shalt  }
0x72: {  	_ =	shalt  }
0x73: {  	_ =	shalt  }
0x74: {  	_ =	shalt  }
0x75: {  	_ =	shalt  }
0x76: {  	_ =	shalt  }
0x77: {  	_ =	shalt  }
0x78: {  	_ =	shalt  }
0x79: {  	_ =	shalt  }
0x7a: {  	_ =	shalt  }
0x7b: {  	_ =	shalt  }
0x7c: {  	_ =	shalt  }
0x7d: {  	_ =	shalt  }
0x7e: {  	_ =	shalt  }
0x7f: {  	_ =	shalt  }
0x80: {  	_ =	shalt  }
0x81: {  	_ =	shalt  }
0x82: {  	_ =	shalt  }
0x83: {  	_ =	shalt  }
0x84: {  	_ =	shalt  }
0x85: {  	_ =	shalt  }
0x86: {  	_ =	shalt  }
0x87: {  	_ =	shalt  }
.Lfunc_end0:
.L_simem_size_0:
called_computation_lowered:
.L_overlay_start_0:
0x88: {  	s2 =	sld [smem:$0x3FD9]  }
0x89: {  	s3 =	sld [smem:$0x3FFE];
	_ =	sdelay $0x1  }
0x8a: {  	s1 =	srdreg.scid  }
0x8b: {  	s0 =	sand.u32 $0x1, s1  }
0x8c: {  	s17 =	sshll.u32 s0, $0xA;
	s2 =	sadd.s32 s3, s2  }
0x8d: {  	s2 =	sadd.s32 s2, s17  }
0x8e: {  	[smem:$0x3FC6] =	sst s2  }
0x8f: {  	_ = 	snop  }
0x90: {  	s2 =	sld [smem:$0x3FC9]  }
0x91: {  	s18 =	sld [smem:$0x3FD0];
	(tm) =	ssettm $0x1  }
0x92: {  	s4 =	sld [smem:$0x3FFB];
	_ =	sdelay $0x3  }
0x93: {  	_ =	strace s4  }
0x94: {  	s4 =	sld [smem:$0x3FFC];
	_ =	sdelay $0x3  }
0x95: {  	_ =	strace s4  }
0x96: {  	s4 =	sld [smem:$0x3FFD];
	_ =	sdelay $0x3  }
0x97: {  	_ =	strace s4  }
0x98: {  	_ =	strace $0x8FFFFFFF  }
0x99: {  	s19 =	sld [smem:$0x3FDB];
	_ =	sdelay $0x1  }
0x9a: {  	s5 =	simm.s32 $_scs_section_size  }
0x9b: {  	s6 =	simm.s32 $_size__tile_overlayer_lowered;
	s7 =	simm.s32 $_tile_overlayer_lowered  }
0x9c: {  	s22 =	simm.s32 $0x1BFF;
	s21 =	sshll.u32 s7, $0x1;
	s4 =	sadd.s32 s5, s19  }
0x9d: {  	s8 =	simm.s32 $0x0;
	s20 =	sshll.u32 s6, $0x1;
	s6 =	sadd.s32 s21, s4  }
0x9e: {  	[timem:s8], [sflag:s22] =	dma.local [hbm:s6], s20  }
0x9f: {  	_ =	swait.ge [sflag:s22], s20  }
0xa0: {  	s5 =	ssub.s32 $0x0, s20;
	[sflag:s22] =	ssyncset.done $0x0  }
0xa1: {  	[sflag:s22] =	ssyncadd.s32 s5;
	_ =	sdelay $0x1  }
0xa2: {  	s23 =	simm.s32 $0x1B8B  }
0xa3: {  	_ =	swait.ge [sflag:s23], $0x1  }
0xa4: {  	[sflag:s23] =	ssyncset.done $0x0  }
0xa5: {  	s25 =	simm.s32 $0x1B8E;
	s24 =	sld [smem:$0x3FFE];
	[sflag:s23] =	ssyncadd.s32 $0xFFFFFFFF  }
0xa6: {  	s26 =	simm.s32 $execute0_lowered;
	[smem:$0x3FD2] =	sst s25  }
0xa7: {  	s6 =	sshll.u32 s26, $0x1;
	_ =	strace $0x80000046;
	[dreg:$0x1] =	wrdreg $0xFFFFFFFF  }
0xa8: {  	s28 =	simm.s32 $_size_execute0_lowered;
	s4 =	sadd.s32 s4, s6;
	[dreg:$0x0] =	wrdreg $0x0  }
0xa9: {  	s6 =	sshll.u32 s28, $0x1;
	[dreg:$0x2] =	wrdreg s4  }
0xaa: {  	[dreg:$0x3] =	wrdreg s6  }
0xab: {  	[dreg:$0x4] =	wrdreg $0xC0  }
0xac: {  	_ =	task [dreg:s8], $0x5FFFF  }
0xad: {  	[dreg:$0x1] =	wrdreg $0xFFFFFFFF  }
0xae: {  	[dreg:$0x0] =	wrdreg $0x60  }
0xaf: {  	[dreg:$0x2] =	wrdreg s2  }
0xb0: {  	[dreg:$0x3] =	wrdreg s24  }
0xb1: {  	[dreg:$0x4] =	wrdreg s18  }
0xb2: {  	[dreg:$0x5] =	wrdreg $0x9  }
0xb3: {  	_ =	task.clear_ibuf [dreg:s8], $0x6FFFF;
	_ =	strace $0x90000046  }
0xb4: {  	s29 =	simm.s32 $0x9;
	_ =	strace $0x80000048  }
0xb5: {  	_ =	swait.ge [sflag:s29], $0x1  }
0xb6: {  	[sflag:s29] =	ssyncadd.s32 $0xFFFFFFFF  }
0xb7: {  	_ =	strace $0x90000048  }
0xb8: {  	_ =	sfence  }
0xb9: {  	s30 =	sld [smem:$0x0];
	_ =	sdelay $0x2  }
0xba: {  	s31 =	sshll.u32 s1, $0xD;
	s1 =	sshrl.u32 s1, $0x2  }
0xbb: {  	s3 =	sand.u32 $0x4000, s31;
	s1 =	sadd.s32 s1, s30  }
0xbc: {  	s0 =	sor.u32 s3, s0;
	s1 =	sshll.u32 s1, $0x11  }
0xbd: {  	s0 =	sor.u32 s1, s0  }
0xbe: {  	s0 =	sadd.s32 $0x8F2B, s0  }
0xbf: {  	[sflag:s0] =	ssyncadd.remote.s32 $0x1  }
0xc0: {  	_ =	sfence.sel $0xFFFF  }
0xc1: {  	[dreg:$0x0] =	wrdreg $0xFFFFFFFF;
	(pc) =	sbr.abs _section_cstart, $3  }
0xc2: {  	[dreg:$0x1] =	wrdreg $0xFFFFFFFF  }
0xc3: {  	_ =	task.clear_ibuf [dreg:s8], $0x2FFFF;
	_ =	strace $0x9FFFFFFF  }
0xc4: {  	(tm) =	ssettm $0x7FFFFFFF  }
0xc5: {  	_ =	shalt  }
tec
execute0_lowered:
.L_overlay_start_1:
0x0: {  	(tag) =	ssettag $0x1  }
0x1: {  	s1 =	rddreg [dreg:$0x0]  }
0x2: {  	s4 =	rddreg [dreg:$0x1]  }
0x3: {  	s0 =	rddreg [dreg:$0x2]  }
0x4: {  	s2 =	srdreg.scid;
	s8 =	stileid.u32  }
0x5: {  	s3 =	simm.s32 $0x0;
	s2 =	sand.u32 $0x1, s2;
	s6 =	sshll.u32 s8, $0x7  }
0x6: {  	s15 =	sshll.u32 s8, $0x9;
	[smem:$0x7FF] =	sst s3;
	s8 =	simm.s32 $0xE800  }
0x7: {  	s5 =	sshll.u32 s2, $0x8;
	s7 =	sshll.u32 s2, $0x6;
	_ =	strace $0x80000047  }
0x8: {  	[dreg:$0x1f] =	wrdreg s8;
	s4 =	sadd.s32 s5, s4;
	s14 =	sor.u32 s7, s6  }
0x9: {  	s7 =	simm.s32 $0xE000;
	s4 =	sadd.s32 s15, s4;
	s16 =	smul.u32 $0x300, s14  }
0xa: {  	[dreg:$0x1e] =	wrdreg s7;
	s4 =	sadd.s32 $0x400, s4  }
0xb: {  	[dreg:$0x4] =	wrdreg s4;
	s17 =	sadd.s32 s1, s16  }
0xc: {  	s18 =	sor.u32 $0x1800, s16;
	s9 =	sadd.s32 s0, s16;
	[dreg:$0x5] =	wrdreg s17  }
0xd: {  	s20 =	sor.u32 $0x3000, s16;
	s19 =	sadd.s32 s1, s18;
	[smem:$0x7EB] =	sst s9  }
0xe: {  	s21 =	sadd.s32 s1, s20;
	[dreg:$0x6] =	wrdreg s19  }
0xf: {  	s6 =	sadd.s32 $0xC00, s9;
	[dreg:$0x7] =	wrdreg s21  }
0x10: {  	s24 =	sadd.s32 s0, s18;
	[dreg:$0x8] =	wrdreg s6  }
0x11: {  	s5 =	smul.u32 $0x1800, s14;
	s25 =	sadd.s32 $0x2400, s9;
	[dreg:$0xa] =	wrdreg s24  }
0x12: {  	s4 =	sadd.s32 s0, s20;
	[dreg:$0xb] =	wrdreg s25  }
0x13: {  	s5 =	sshrl.u32 s5, $0x3;
	s11 =	sadd.s32 $0x3C00, s9;
	[dreg:$0xd] =	wrdreg s4  }
0x14: {  	s22 =	sadd.s32 $0x4800, s5;
	s9 =	simm.s32 $0xF000;
	[dreg:$0xe] =	wrdreg s11  }
0x15: {  	s26 =	sadd.s32 $0x6000, s5;
	s23 =	sadd.s32 s1, s22;
	[smem:$0x7EC] =	sst s9  }
0x16: {  	s12 =	sadd.s32 $0x7800, s5;
	s10 =	sadd.s32 s1, s26;
	[dreg:$0x9] =	wrdreg s23  }
0x17: {  	s13 =	sadd.s32 s1, s12;
	[dreg:$0xc] =	wrdreg s10  }
0x18: {  	s15 =	sadd.s32 s0, s5;
	s14 =	sadd.s32 s0, s22;
	[dreg:$0xf] =	wrdreg s13  }
0x19: {  	s17 =	sadd.s32 $0x9000, s5;
	s16 =	sadd.s32 $0x5400, s15;
	[dreg:$0x10] =	wrdreg s14  }
0x1a: {  	s18 =	sadd.s32 s1, s17;
	[dreg:$0x11] =	wrdreg s16  }
0x1b: {  	s19 =	sadd.s32 s0, s26;
	[dreg:$0x12] =	wrdreg s18  }
0x1c: {  	s5 =	sadd.s32 $0xA800, s5;
	s20 =	sadd.s32 $0x6C00, s15;
	[dreg:$0x13] =	wrdreg s19  }
0x1d: {  	s21 =	sadd.s32 s1, s5;
	[dreg:$0x14] =	wrdreg s20  }
0x1e: {  	s22 =	sadd.s32 s0, s12;
	[dreg:$0x15] =	wrdreg s21  }
0x1f: {  	s24 =	sadd.s32 s0, s17;
	[dreg:$0x16] =	wrdreg s22  }
0x20: {  	s25 =	sadd.s32 $0x9C00, s15;
	[dreg:$0x18] =	wrdreg s24  }
0x21: {  	s0 =	sadd.s32 s0, s5;
	[dreg:$0x19] =	wrdreg s25  }
0x22: {  	s26 =	sadd.s32 $0xB400, s15;
	[dreg:$0x1a] =	wrdreg s0  }
0x23: {  	s4 =	simm.s32 $0xD000;
	[dreg:$0x1b] =	wrdreg s26  }
0x24: {  	s29 =	simm.s32 $0x2;
	s6 =	simm.s32 $0xD800;
	[dreg:$0x1c] =	wrdreg s4  }
0x25: {  	s30 =	simm.s32 $0x7;
	s11 =	simm.s32 $0x10000;
	[dreg:$0x1d] =	wrdreg s6  }
0x26: {  	s31 =	simm.s32 $0x3;
	s12 =	simm.s32 $0x10800;
	[smem:$0x7EE] =	sst s11  }
0x27: {  	s28 =	simm.s32 $0xB000;
	s17 =	simm.s32 $0x19800;
	[smem:$0x7EF] =	sst s12  }
0x28: {  	s2 =	ssub.s32 $0x2, s2;
	s23 =	sadd.s32 $0x8400, s15;
	[smem:$0x7F4] =	sst s17  }
0x29: {  	s8 =	simm.s32 $0x800;
	s10 =	simm.s32 $0xF800;
	[dreg:$0x17] =	wrdreg s23  }
0x2a: {  	s5 =	sshrl.u32 s2, $0x1;
	s13 =	simm.s32 $0x11000;
	[smem:$0x7ED] =	sst s10  }
0x2b: {  	s9 =	simm.s32 $0x5;
	s14 =	simm.s32 $0x11800;
	[smem:$0x7F0] =	sst s13  }
0x2c: {  	s2 =	ssub.s32 s2, s5;
	s15 =	simm.s32 $0x12000;
	[smem:$0x7F1] =	sst s14  }
0x2d: {  	s5 =	sadd.s32 $0x100, s1;
	s16 =	simm.s32 $0x19000;
	[smem:$0x7F2] =	sst s15  }
0x2e: {  	s6 =	sadd.s32 $0x200, s1;
	s18 =	simm.s32 $0x1A000;
	[smem:$0x7F3] =	sst s16  }
0x2f: {  	s19 =	simm.s32 $0x1A800;
	s20 =	simm.s32 $0x1B000;
	[smem:$0x7F5] =	sst s18  }
0x30: {  	s21 =	simm.s32 $0x1B800;
	s22 =	simm.s32 $0x1C000;
	[smem:$0x7F6] =	sst s19  }
0x31: {  	s24 =	simm.s32 $0x1D000;
	s25 =	simm.s32 $0x1D800;
	[smem:$0x7F7] =	sst s20  }
0x32: {  	s26 =	simm.s32 $0x1E000;
	s12 =	simm.s32 $0x18800;
	[smem:$0x7F8] =	sst s21  }
0x33: {  	s0 =	simm.s32 $0x8;
	s4 =	simm.s32 $0x9;
	[smem:$0x7F9] =	sst s22  }
0x34: {  	s11 =	simm.s32 $0xA;
	s17 =	simm.s32 $0xC000;
	[smem:$0x7FB] =	sst s24  }
0x35: {  	s7 =	smax.u32 s2, $0x1;
	s10 =	simm.s32 $0x6800;
	[smem:$0x7FC] =	sst s25  }
0x36: {  	s23 =	simm.s32 $0x1C800;
	s22 =	simm.s32 $0xC800;
	[smem:$0x7FD] =	sst s26  }
0x37: {  	s13 =	simm.s32 $0x1;
	s14 =	simm.s32 $0x6;
	s2 =	simm.s32 $0x4  }
0x38: {  	v2 =	vlaneseq.u32;
	s18 =	simm.s32 $0x7800;
	s19 =	simm.s32 $0x8000;
	s20 =	simm.s32 $0x8800  }
0x39: {  	vm0 =	vmmov $0xffff;
	v1 =	vshrl.u32 v2, $0x3;
	s21 =	simm.s32 $0x9000;
	s24 =	simm.s32 $0x9800;
	s25 =	simm.s32 $0xA000  }
0x3a: {  	v0 =	vand.u32 $0x7, v2;
	v2 =	vor.u32 $0x8, v2;
	v1 =	vmul.u32 $0x8, v1;
	s26 =	simm.s32 $0xA800;
	[smem:$0x7FA] =	sst s23;
	s23 =	simm.s32 $0x12800  }
.LBB2_1:
0x3b: {  	s15 =	rddreg [dreg:$0x4]  }
0x3c: {  	[tilespmem:s3], [sflag:$0x5] =	stream.linear.gather [hbm4b:s15+s3], $0x800, $0x38;
	[tilespmem:$0x1E800] =	vst v63  }
0x3d: {  	s16 =	rddreg [dreg:$0x5]  }
0x3e: {  	[tilespmem:s8], [sflag:$0x1] =	stream.linear.gather [hbm4b:s16+s3], $0x6000, $0x38;
	[tilespmem:$0x1E800] =	vst v63  }
0x3f: {  	_ =	swait.ge [sflag:s9], $0x800  }
0x40: {  	[sflag:s9] =	ssyncset.done $0x0  }
0x41: {  	[sflag:s9] =	ssyncadd.s32 $0xFFFFF800  }
0x42: {  	v3 =	vld [tilespmem:$0x80];
	_ =	sdelay $0x4  }
0x43: {  	v4 =	vshrl.u32 v3, $0x3  }
0x44: {  	v4 =	vmul.u32 $0x30, v4  }
0x45: {  	v3 =	vand.u32 $0x7, v3  }
0x46: {  	v3 =	vor.u32 v3, v4  }
0x47: {  	v4 =	vperm.xlane v3, v0;
	_ =	sdelay $0x1  }
0x48: {  	v4 =	vadd.s32 v1, v4;
	_ =	sdelay $0x3  }
0x49: {  	v3 =	vperm.xlane v3, v2  }
0x4a: {  	[tilespmem:s10], [sflag:$0x2] =	stream.indirect_vreg.gather [hbm4b:s1+s3], $0x80, v4, vm0, $0xb8;
	[tilespmem:$0x1E800] =	vst v63  }
0x4b: {  	s16 =	simm.s32 $0x7000;
	v3 =	vadd.s32 v1, v3  }
0x4c: {  	[tilespmem:s16], [sflag:$0x2] =	stream.indirect_vreg.gather [hbm4b:s5+s3], $0x80, v4, vm0, $0xb8;
	[tilespmem:$0x1E800] =	vst v63  }
0x4d: {  	_ = 	snop  }
0x4e: {  	[tilespmem:s18], [sflag:$0x2] =	stream.indirect_vreg.gather [hbm4b:s6+s3], $0x80, v4, vm0, $0xb8;
	[tilespmem:$0x1E800] =	vst v63  }
0x4f: {  	_ = 	snop  }
0x50: {  	[tilespmem:s19], [sflag:$0x2] =	stream.indirect_vreg.gather [hbm4b:s1+s3], $0x80, v3, vm0, $0xb8;
	[tilespmem:$0x1E800] =	vst v63  }
0x51: {  	_ = 	snop  }
0x52: {  	[tilespmem:s20], [sflag:$0x2] =	stream.indirect_vreg.gather [hbm4b:s5+s3], $0x80, v3, vm0, $0xb8;
	[tilespmem:$0x1E800] =	vst v63  }
0x53: {  	_ = 	snop  }
0x54: {  	[tilespmem:s21], [sflag:$0x2] =	stream.indirect_vreg.gather [hbm4b:s6+s3], $0x80, v3, vm0, $0xb8;
	[tilespmem:$0x1E800] =	vst v63  }
0x55: {  	v3 =	vld [tilespmem:$0x90];
	_ =	sdelay $0x4  }
0x56: {  	v49 =	vshrl.u32 v3, $0x3  }
0x57: {  	v4 =	vmul.u32 $0x30, v49  }
0x58: {  	v3 =	vand.u32 $0x7, v3  }
0x59: {  	v3 =	vor.u32 v3, v4  }
0x5a: {  	v4 =	vperm.xlane v3, v0;
	_ =	sdelay $0x1  }
0x5b: {  	v4 =	vadd.s32 v1, v4;
	_ =	sdelay $0x3  }
0x5c: {  	v3 =	vperm.xlane v3, v2  }
0x5d: {  	[tilespmem:s24], [sflag:$0x2] =	stream.indirect_vreg.gather [hbm4b:s1+s3], $0x80, v4, vm0, $0xb8;
	[tilespmem:$0x1E800] =	vst v63  }
0x5e: {  	v3 =	vadd.s32 v1, v3  }
0x5f: {  	[tilespmem:s25], [sflag:$0x2] =	stream.indirect_vreg.gather [hbm4b:s5+s3], $0x80, v4, vm0, $0xb8;
	[tilespmem:$0x1E800] =	vst v63  }
0x60: {  	_ = 	snop  }
0x61: {  	[tilespmem:s26], [sflag:$0x2] =	stream.indirect_vreg.gather [hbm4b:s6+s3], $0x80, v4, vm0, $0xb8;
	[tilespmem:$0x1E800] =	vst v63  }
0x62: {  	_ = 	snop  }
0x63: {  	[tilespmem:s28], [sflag:$0x2] =	stream.indirect_vreg.gather [hbm4b:s1+s3], $0x80, v3, vm0, $0xb8;
	[tilespmem:$0x1E800] =	vst v63  }
0x64: {  	s16 =	simm.s32 $0xB800  }
0x65: {  	[tilespmem:s16], [sflag:$0x2] =	stream.indirect_vreg.gather [hbm4b:s5+s3], $0x80, v3, vm0, $0xb8;
	[tilespmem:$0x1E800] =	vst v63  }
0x66: {  	_ = 	snop  }
0x67: {  	[tilespmem:s17], [sflag:$0x2] =	stream.indirect_vreg.gather [hbm4b:s6+s3], $0x80, v3, vm0, $0xb8;
	[tilespmem:$0x1E800] =	vst v63  }
0x68: {  	s16 =	rddreg [dreg:$0x6]  }
0x69: {  	[tilespmem:s22], [sflag:$0x3] =	stream.linear.gather [hbm4b:s16+s3], $0x6000, $0x38;
	[tilespmem:$0x1E800] =	vst v63  }
0x6a: {  	v3 =	vld [tilespmem:$0x180];
	_ =	sdelay $0x4  }
0x6b: {  	v50 =	vshrl.u32 v3, $0x3  }
0x6c: {  	v4 =	vmul.u32 $0x30, v50  }
0x6d: {  	v3 =	vand.u32 $0x7, v3  }
0x6e: {  	v3 =	vor.u32 v3, v4  }
0x6f: {  	v4 =	vperm.xlane v3, v0;
	_ =	sdelay $0x1  }
0x70: {  	v4 =	vadd.s32 v1, v4;
	_ =	sdelay $0x3  }
0x71: {  	v3 =	vperm.xlane v3, v2  }
0x72: {  	[tilespmem:s23], [sflag:$0x4] =	stream.indirect_vreg.gather [hbm4b:s1+s3], $0x80, v4, vm0, $0xb8;
	[tilespmem:$0x1E800] =	vst v63  }
0x73: {  	s16 =	simm.s32 $0x13000;
	v3 =	vadd.s32 v1, v3  }
0x74: {  	[tilespmem:s16], [sflag:$0x4] =	stream.indirect_vreg.gather [hbm4b:s5+s3], $0x80, v4, vm0, $0xb8;
	[tilespmem:$0x1E800] =	vst v63  }
0x75: {  	s16 =	simm.s32 $0x13800  }
0x76: {  	[tilespmem:s16], [sflag:$0x4] =	stream.indirect_vreg.gather [hbm4b:s6+s3], $0x80, v4, vm0, $0xb8;
	[tilespmem:$0x1E800] =	vst v63  }
0x77: {  	s16 =	simm.s32 $0x14000  }
0x78: {  	[tilespmem:s16], [sflag:$0x4] =	stream.indirect_vreg.gather [hbm4b:s1+s3], $0x80, v3, vm0, $0xb8;
	[tilespmem:$0x1E800] =	vst v63  }
0x79: {  	s16 =	simm.s32 $0x14800  }
0x7a: {  	[tilespmem:s16], [sflag:$0x4] =	stream.indirect_vreg.gather [hbm4b:s5+s3], $0x80, v3, vm0, $0xb8;
	[tilespmem:$0x1E800] =	vst v63  }
0x7b: {  	s16 =	simm.s32 $0x15000  }
0x7c: {  	[tilespmem:s16], [sflag:$0x4] =	stream.indirect_vreg.gather [hbm4b:s6+s3], $0x80, v3, vm0, $0xb8;
	[tilespmem:$0x1E800] =	vst v63  }
0x7d: {  	v3 =	vld [tilespmem:$0x190];
	_ =	sdelay $0x4  }
0x7e: {  	v51 =	vshrl.u32 v3, $0x3  }
0x7f: {  	v4 =	vmul.u32 $0x30, v51  }
0x80: {  	v3 =	vand.u32 $0x7, v3  }
0x81: {  	v3 =	vor.u32 v3, v4  }
0x82: {  	v4 =	vperm.xlane v3, v0;
	_ =	sdelay $0x1  }
0x83: {  	v4 =	vadd.s32 v1, v4;
	_ =	sdelay $0x3  }
0x84: {  	s16 =	simm.s32 $0x15800;
	v3 =	vperm.xlane v3, v2  }
0x85: {  	[tilespmem:s16], [sflag:$0x4] =	stream.indirect_vreg.gather [hbm4b:s1+s3], $0x80, v4, vm0, $0xb8;
	[tilespmem:$0x1E800] =	vst v63  }
0x86: {  	v3 =	vadd.s32 v1, v3;
	s16 =	simm.s32 $0x16000  }
0x87: {  	[tilespmem:s16], [sflag:$0x4] =	stream.indirect_vreg.gather [hbm4b:s5+s3], $0x80, v4, vm0, $0xb8;
	[tilespmem:$0x1E800] =	vst v63  }
0x88: {  	s16 =	simm.s32 $0x16800  }
0x89: {  	[tilespmem:s16], [sflag:$0x4] =	stream.indirect_vreg.gather [hbm4b:s6+s3], $0x80, v4, vm0, $0xb8;
	[tilespmem:$0x1E800] =	vst v63  }
0x8a: {  	s16 =	simm.s32 $0x17000  }
0x8b: {  	[tilespmem:s16], [sflag:$0x4] =	stream.indirect_vreg.gather [hbm4b:s1+s3], $0x80, v3, vm0, $0xb8;
	[tilespmem:$0x1E800] =	vst v63  }
0x8c: {  	s16 =	simm.s32 $0x17800  }
0x8d: {  	[tilespmem:s16], [sflag:$0x4] =	stream.indirect_vreg.gather [hbm4b:s5+s3], $0x80, v3, vm0, $0xb8;
	[tilespmem:$0x1E800] =	vst v63  }
0x8e: {  	s16 =	simm.s32 $0x18000  }
0x8f: {  	[tilespmem:s16], [sflag:$0x4] =	stream.indirect_vreg.gather [hbm4b:s6+s3], $0x80, v3, vm0, $0xb8;
	[tilespmem:$0x1E800] =	vst v63  }
0x90: {  	s15 =	rddreg [dreg:$0x7]  }
0x91: {  	[tilespmem:s12], [sflag:$0x5] =	stream.linear.gather [hbm4b:s15+s3], $0x6000, $0x38;
	[tilespmem:$0x1E800] =	vst v63  }
0x92: {  	_ =	swait.ge [sflag:s13], $0x6000  }
0x93: {  	s16 =	sld [smem:$0x7EB]  }
0x94: {  	[sflag:s13] =	ssyncset.done $0x0  }
0x95: {  	[sflag:s13] =	ssyncadd.s32 $0xFFFFA000  }
0x96: {  	[hbm4b:s16+s3] =	stream.linear.scatter [tilespmem:s8], [sflag:$0x6], $0x6000, $0x38;
	[tilespmem:$0x1E800] =	vst v63  }
0x97: {  	_ =	swait.ge [sflag:s14], $0x6000  }
0x98: {  	[sflag:s14] =	ssyncset.done $0x0  }
0x99: {  	[sflag:s14] =	ssyncadd.s32 $0xFFFFA000  }
0x9a: {  	v3 =	vld [tilespmem:$0x280];
	_ =	sdelay $0x4  }
0x9b: {  	v52 =	vshrl.u32 v3, $0x3  }
0x9c: {  	v4 =	vmul.u32 $0x30, v52  }
0x9d: {  	v3 =	vand.u32 $0x7, v3  }
0x9e: {  	v3 =	vor.u32 v3, v4  }
0x9f: {  	v4 =	vperm.xlane v3, v0;
	_ =	sdelay $0x1  }
0xa0: {  	v4 =	vadd.s32 v1, v4;
	_ =	sdelay $0x3  }
0xa1: {  	v3 =	vperm.xlane v3, v2  }
0xa2: {  	[tilespmem:s8], [sflag:$0x1] =	stream.indirect_vreg.gather [hbm4b:s1+s3], $0x80, v4, vm0, $0xb8;
	[tilespmem:$0x1E800] =	vst v63  }
0xa3: {  	s16 =	simm.s32 $0x1000;
	v3 =	vadd.s32 v1, v3  }
0xa4: {  	[tilespmem:s16], [sflag:$0x1] =	stream.indirect_vreg.gather [hbm4b:s5+s3], $0x80, v4, vm0, $0xb8;
	[tilespmem:$0x1E800] =	vst v63  }
0xa5: {  	s16 =	simm.s32 $0x1800  }
0xa6: {  	[tilespmem:s16], [sflag:$0x1] =	stream.indirect_vreg.gather [hbm4b:s6+s3], $0x80, v4, vm0, $0xb8;
	[tilespmem:$0x1E800] =	vst v63  }
0xa7: {  	s16 =	simm.s32 $0x2000  }
0xa8: {  	[tilespmem:s16], [sflag:$0x1] =	stream.indirect_vreg.gather [hbm4b:s1+s3], $0x80, v3, vm0, $0xb8;
	[tilespmem:$0x1E800] =	vst v63  }
0xa9: {  	s16 =	simm.s32 $0x2800  }
0xaa: {  	[tilespmem:s16], [sflag:$0x1] =	stream.indirect_vreg.gather [hbm4b:s5+s3], $0x80, v3, vm0, $0xb8;
	[tilespmem:$0x1E800] =	vst v63  }
0xab: {  	s16 =	simm.s32 $0x3000  }
0xac: {  	[tilespmem:s16], [sflag:$0x1] =	stream.indirect_vreg.gather [hbm4b:s6+s3], $0x80, v3, vm0, $0xb8;
	[tilespmem:$0x1E800] =	vst v63  }
0xad: {  	v3 =	vld [tilespmem:$0x290];
	_ =	sdelay $0x4  }
0xae: {  	v53 =	vshrl.u32 v3, $0x3  }
0xaf: {  	v4 =	vmul.u32 $0x30, v53  }
0xb0: {  	v3 =	vand.u32 $0x7, v3  }
0xb1: {  	v3 =	vor.u32 v3, v4  }
0xb2: {  	v4 =	vperm.xlane v3, v0;
	_ =	sdelay $0x1  }
0xb3: {  	v4 =	vadd.s32 v1, v4;
	_ =	sdelay $0x3  }
0xb4: {  	s16 =	simm.s32 $0x3800;
	v3 =	vperm.xlane v3, v2  }
0xb5: {  	[tilespmem:s16], [sflag:$0x1] =	stream.indirect_vreg.gather [hbm4b:s1+s3], $0x80, v4, vm0, $0xb8;
	[tilespmem:$0x1E800] =	vst v63  }
0xb6: {  	v3 =	vadd.s32 v1, v3;
	s16 =	simm.s32 $0x4000  }
0xb7: {  	[tilespmem:s16], [sflag:$0x1] =	stream.indirect_vreg.gather [hbm4b:s5+s3], $0x80, v4, vm0, $0xb8;
	[tilespmem:$0x1E800] =	vst v63  }
0xb8: {  	s16 =	simm.s32 $0x4800  }
0xb9: {  	[tilespmem:s16], [sflag:$0x1] =	stream.indirect_vreg.gather [hbm4b:s6+s3], $0x80, v4, vm0, $0xb8;
	[tilespmem:$0x1E800] =	vst v63  }
0xba: {  	s16 =	simm.s32 $0x5000  }
0xbb: {  	[tilespmem:s16], [sflag:$0x1] =	stream.indirect_vreg.gather [hbm4b:s1+s3], $0x80, v3, vm0, $0xb8;
	[tilespmem:$0x1E800] =	vst v63  }
0xbc: {  	s16 =	simm.s32 $0x5800  }
0xbd: {  	[tilespmem:s16], [sflag:$0x1] =	stream.indirect_vreg.gather [hbm4b:s5+s3], $0x80, v3, vm0, $0xb8;
	[tilespmem:$0x1E800] =	vst v63  }
0xbe: {  	s16 =	simm.s32 $0x6000  }
0xbf: {  	[tilespmem:s16], [sflag:$0x1] =	stream.indirect_vreg.gather [hbm4b:s6+s3], $0x80, v3, vm0, $0xb8;
	[tilespmem:$0x1E800] =	vst v63  }
0xc0: {  	_ =	swait.ge [sflag:s29], $0x6000  }
0xc1: {  	[sflag:s29] =	ssyncset.done $0x0  }
0xc2: {  	s16 =	rddreg [dreg:$0x8];
	[sflag:s29] =	ssyncadd.s32 $0xFFFFA000  }
0xc3: {  	[hbm4b:s16+s3] =	stream.linear.scatter [tilespmem:s10], [sflag:$0x7], $0x6000, $0x38;
	[tilespmem:$0x1E800] =	vst v63  }
0xc4: {  	_ =	swait.ge [sflag:s30], $0x6000  }
0xc5: {  	[sflag:s30] =	ssyncset.done $0x0  }
0xc6: {  	s16 =	rddreg [dreg:$0x9];
	[sflag:s30] =	ssyncadd.s32 $0xFFFFA000  }
0xc7: {  	[tilespmem:s10], [sflag:$0x2] =	stream.linear.gather [hbm4b:s16+s3], $0x6000, $0x38;
	[tilespmem:$0x1E800] =	vst v63  }
0xc8: {  	_ =	swait.ge [sflag:s31], $0x6000  }
0xc9: {  	[sflag:s31] =	ssyncset.done $0x0  }
0xca: {  	s16 =	rddreg [dreg:$0xa];
	[sflag:s31] =	ssyncadd.s32 $0xFFFFA000  }
0xcb: {  	[hbm4b:s16+s3] =	stream.linear.scatter [tilespmem:s22], [sflag:$0x8], $0x6000, $0x38;
	[tilespmem:$0x1E800] =	vst v63  }
0xcc: {  	_ =	swait.ge [sflag:s0], $0x6000  }
0xcd: {  	[sflag:s0] =	ssyncset.done $0x0  }
0xce: {  	[sflag:s0] =	ssyncadd.s32 $0xFFFFA000  }
0xcf: {  	v3 =	vld [tilespmem:$0x380];
	_ =	sdelay $0x4  }
0xd0: {  	v54 =	vshrl.u32 v3, $0x3  }
0xd1: {  	v4 =	vmul.u32 $0x30, v54  }
0xd2: {  	v3 =	vand.u32 $0x7, v3  }
0xd3: {  	v3 =	vor.u32 v3, v4  }
0xd4: {  	v4 =	vperm.xlane v3, v0;
	_ =	sdelay $0x1  }
0xd5: {  	v4 =	vadd.s32 v1, v4;
	_ =	sdelay $0x3  }
0xd6: {  	s15 =	rddreg [dreg:$0x1c];
	v3 =	vperm.xlane v3, v2  }
0xd7: {  	[tilespmem:s22], [sflag:$0x3] =	stream.indirect_vreg.gather [hbm4b:s1+s3], $0x80, v4, vm0, $0xb8;
	[tilespmem:$0x1E800] =	vst v63  }
0xd8: {  	s16 =	rddreg [dreg:$0x1d];
	v3 =	vadd.s32 v1, v3  }
0xd9: {  	[tilespmem:s15], [sflag:$0x3] =	stream.indirect_vreg.gather [hbm4b:s5+s3], $0x80, v4, vm0, $0xb8;
	[tilespmem:$0x1E800] =	vst v63  }
0xda: {  	s15 =	rddreg [dreg:$0x1e]  }
0xdb: {  	[tilespmem:s16], [sflag:$0x3] =	stream.indirect_vreg.gather [hbm4b:s6+s3], $0x80, v4, vm0, $0xb8;
	[tilespmem:$0x1E800] =	vst v63  }
0xdc: {  	s16 =	rddreg [dreg:$0x1f]  }
0xdd: {  	[tilespmem:s15], [sflag:$0x3] =	stream.indirect_vreg.gather [hbm4b:s1+s3], $0x80, v3, vm0, $0xb8;
	[tilespmem:$0x1E800] =	vst v63  }
0xde: {  	s15 =	sld [smem:$0x7EC]  }
0xdf: {  	[tilespmem:s16], [sflag:$0x3] =	stream.indirect_vreg.gather [hbm4b:s5+s3], $0x80, v3, vm0, $0xb8;
	[tilespmem:$0x1E800] =	vst v63  }
0xe0: {  	_ = 	snop  }
0xe1: {  	[tilespmem:s15], [sflag:$0x3] =	stream.indirect_vreg.gather [hbm4b:s6+s3], $0x80, v3, vm0, $0xb8;
	[tilespmem:$0x1E800] =	vst v63  }
0xe2: {  	v3 =	vld [tilespmem:$0x390];
	_ =	sdelay $0x4  }
0xe3: {  	v55 =	vshrl.u32 v3, $0x3  }
0xe4: {  	v4 =	vmul.u32 $0x30, v55  }
0xe5: {  	v3 =	vand.u32 $0x7, v3  }
0xe6: {  	v3 =	vor.u32 v3, v4  }
0xe7: {  	v4 =	vperm.xlane v3, v0;
	_ =	sdelay $0x1  }
0xe8: {  	v4 =	vadd.s32 v1, v4;
	_ =	sdelay $0x1  }
0xe9: {  	s15 =	sld [smem:$0x7ED];
	_ =	sdelay $0x1  }
0xea: {  	s16 =	sld [smem:$0x7EE];
	v3 =	vperm.xlane v3, v2  }
0xeb: {  	[tilespmem:s15], [sflag:$0x3] =	stream.indirect_vreg.gather [hbm4b:s1+s3], $0x80, v4, vm0, $0xb8;
	[tilespmem:$0x1E800] =	vst v63  }
0xec: {  	v3 =	vadd.s32 v1, v3;
	s15 =	sld [smem:$0x7EF]  }
0xed: {  	[tilespmem:s16], [sflag:$0x3] =	stream.indirect_vreg.gather [hbm4b:s5+s3], $0x80, v4, vm0, $0xb8;
	[tilespmem:$0x1E800] =	vst v63  }
0xee: {  	s16 =	sld [smem:$0x7F0]  }
0xef: {  	[tilespmem:s15], [sflag:$0x3] =	stream.indirect_vreg.gather [hbm4b:s6+s3], $0x80, v4, vm0, $0xb8;
	[tilespmem:$0x1E800] =	vst v63  }
0xf0: {  	s15 =	sld [smem:$0x7F1]  }
0xf1: {  	[tilespmem:s16], [sflag:$0x3] =	stream.indirect_vreg.gather [hbm4b:s1+s3], $0x80, v3, vm0, $0xb8;
	[tilespmem:$0x1E800] =	vst v63  }
0xf2: {  	s16 =	sld [smem:$0x7F2]  }
0xf3: {  	[tilespmem:s15], [sflag:$0x3] =	stream.indirect_vreg.gather [hbm4b:s5+s3], $0x80, v3, vm0, $0xb8;
	[tilespmem:$0x1E800] =	vst v63  }
0xf4: {  	_ = 	snop  }
0xf5: {  	[tilespmem:s16], [sflag:$0x3] =	stream.indirect_vreg.gather [hbm4b:s6+s3], $0x80, v3, vm0, $0xb8;
	[tilespmem:$0x1E800] =	vst v63  }
0xf6: {  	_ =	swait.ge [sflag:s2], $0x6000  }
0xf7: {  	[sflag:s2] =	ssyncset.done $0x0  }
0xf8: {  	s16 =	rddreg [dreg:$0xb];
	[sflag:s2] =	ssyncadd.s32 $0xFFFFA000  }
0xf9: {  	[hbm4b:s16+s3] =	stream.linear.scatter [tilespmem:s23], [sflag:$0x9], $0x6000, $0x38;
	[tilespmem:$0x1E800] =	vst v63  }
0xfa: {  	_ =	swait.ge [sflag:s4], $0x6000  }
0xfb: {  	[sflag:s4] =	ssyncset.done $0x0  }
0xfc: {  	s16 =	rddreg [dreg:$0xc];
	[sflag:s4] =	ssyncadd.s32 $0xFFFFA000  }
0xfd: {  	[tilespmem:s23], [sflag:$0x4] =	stream.linear.gather [hbm4b:s16+s3], $0x6000, $0x38;
	[tilespmem:$0x1E800] =	vst v63  }
0xfe: {  	_ =	swait.ge [sflag:s9], $0x6000  }
0xff: {  	[sflag:s9] =	ssyncset.done $0x0  }
0x100: {  	s16 =	rddreg [dreg:$0xd];
	[sflag:s9] =	ssyncadd.s32 $0xFFFFA000  }
0x101: {  	[hbm4b:s16+s3] =	stream.linear.scatter [tilespmem:s12], [sflag:$0xA], $0x6000, $0x38;
	[tilespmem:$0x1E800] =	vst v63  }
0x102: {  	_ =	swait.ge [sflag:s11], $0x6000  }
0x103: {  	[sflag:s11] =	ssyncset.done $0x0  }
0x104: {  	[sflag:s11] =	ssyncadd.s32 $0xFFFFA000  }
0x105: {  	v3 =	vld [tilespmem:$0x480];
	_ =	sdelay $0x4  }
0x106: {  	v56 =	vshrl.u32 v3, $0x3  }
0x107: {  	v4 =	vmul.u32 $0x30, v56  }
0x108: {  	v3 =	vand.u32 $0x7, v3  }
0x109: {  	v3 =	vor.u32 v3, v4  }
0x10a: {  	v4 =	vperm.xlane v3, v0;
	_ =	sdelay $0x1  }
0x10b: {  	v4 =	vadd.s32 v1, v4;
	_ =	sdelay $0x3  }
0x10c: {  	s15 =	sld [smem:$0x7F3];
	v3 =	vperm.xlane v3, v2  }
0x10d: {  	[tilespmem:s12], [sflag:$0x5] =	stream.indirect_vreg.gather [hbm4b:s1+s3], $0x80, v4, vm0, $0xb8;
	[tilespmem:$0x1E800] =	vst v63  }
0x10e: {  	s16 =	sld [smem:$0x7F4];
	v3 =	vadd.s32 v1, v3  }
0x10f: {  	[tilespmem:s15], [sflag:$0x5] =	stream.indirect_vreg.gather [hbm4b:s5+s3], $0x80, v4, vm0, $0xb8;
	[tilespmem:$0x1E800] =	vst v63  }
0x110: {  	s15 =	sld [smem:$0x7F5]  }
0x111: {  	[tilespmem:s16], [sflag:$0x5] =	stream.indirect_vreg.gather [hbm4b:s6+s3], $0x80, v4, vm0, $0xb8;
	[tilespmem:$0x1E800] =	vst v63  }
0x112: {  	s16 =	sld [smem:$0x7F6]  }
0x113: {  	[tilespmem:s15], [sflag:$0x5] =	stream.indirect_vreg.gather [hbm4b:s1+s3], $0x80, v3, vm0, $0xb8;
	[tilespmem:$0x1E800] =	vst v63  }
0x114: {  	s15 =	sld [smem:$0x7F7]  }
0x115: {  	[tilespmem:s16], [sflag:$0x5] =	stream.indirect_vreg.gather [hbm4b:s5+s3], $0x80, v3, vm0, $0xb8;
	[tilespmem:$0x1E800] =	vst v63  }
0x116: {  	_ = 	snop  }
0x117: {  	[tilespmem:s15], [sflag:$0x5] =	stream.indirect_vreg.gather [hbm4b:s6+s3], $0x80, v3, vm0, $0xb8;
	[tilespmem:$0x1E800] =	vst v63  }
0x118: {  	v3 =	vld [tilespmem:$0x490];
	_ =	sdelay $0x4  }
0x119: {  	v57 =	vshrl.u32 v3, $0x3  }
0x11a: {  	v4 =	vmul.u32 $0x30, v57  }
0x11b: {  	v3 =	vand.u32 $0x7, v3  }
0x11c: {  	v3 =	vor.u32 v3, v4  }
0x11d: {  	v4 =	vperm.xlane v3, v0;
	_ =	sdelay $0x1  }
0x11e: {  	v4 =	vadd.s32 v1, v4;
	_ =	sdelay $0x1  }
0x11f: {  	s15 =	sld [smem:$0x7F8];
	_ =	sdelay $0x1  }
0x120: {  	s16 =	sld [smem:$0x7F9];
	v3 =	vperm.xlane v3, v2  }
0x121: {  	[tilespmem:s15], [sflag:$0x5] =	stream.indirect_vreg.gather [hbm4b:s1+s3], $0x80, v4, vm0, $0xb8;
	[tilespmem:$0x1E800] =	vst v63  }
0x122: {  	v3 =	vadd.s32 v1, v3;
	s15 =	sld [smem:$0x7FA]  }
0x123: {  	[tilespmem:s16], [sflag:$0x5] =	stream.indirect_vreg.gather [hbm4b:s5+s3], $0x80, v4, vm0, $0xb8;
	[tilespmem:$0x1E800] =	vst v63  }
0x124: {  	s16 =	sld [smem:$0x7FB]  }
0x125: {  	[tilespmem:s15], [sflag:$0x5] =	stream.indirect_vreg.gather [hbm4b:s6+s3], $0x80, v4, vm0, $0xb8;
	[tilespmem:$0x1E800] =	vst v63  }
0x126: {  	s15 =	sld [smem:$0x7FC]  }
0x127: {  	[tilespmem:s16], [sflag:$0x5] =	stream.indirect_vreg.gather [hbm4b:s1+s3], $0x80, v3, vm0, $0xb8;
	[tilespmem:$0x1E800] =	vst v63  }
0x128: {  	s16 =	sld [smem:$0x7FD]  }
0x129: {  	[tilespmem:s15], [sflag:$0x5] =	stream.indirect_vreg.gather [hbm4b:s5+s3], $0x80, v3, vm0, $0xb8;
	[tilespmem:$0x1E800] =	vst v63  }
0x12a: {  	_ = 	snop  }
0x12b: {  	[tilespmem:s16], [sflag:$0x5] =	stream.indirect_vreg.gather [hbm4b:s6+s3], $0x80, v3, vm0, $0xb8;
	[tilespmem:$0x1E800] =	vst v63  }
0x12c: {  	_ =	swait.ge [sflag:s13], $0x6000  }
0x12d: {  	[sflag:s13] =	ssyncset.done $0x0  }
0x12e: {  	s16 =	rddreg [dreg:$0xe];
	[sflag:s13] =	ssyncadd.s32 $0xFFFFA000  }
0x12f: {  	[hbm4b:s16+s3] =	stream.linear.scatter [tilespmem:s8], [sflag:$0x6], $0x6000, $0x38;
	[tilespmem:$0x1E800] =	vst v63  }
0x130: {  	_ =	swait.ge [sflag:s14], $0x6000  }
0x131: {  	[sflag:s14] =	ssyncset.done $0x0  }
0x132: {  	s16 =	rddreg [dreg:$0xf];
	[sflag:s14] =	ssyncadd.s32 $0xFFFFA000  }
0x133: {  	[tilespmem:s8], [sflag:$0x1] =	stream.linear.gather [hbm4b:s16+s3], $0x6000, $0x38;
	[tilespmem:$0x1E800] =	vst v63  }
0x134: {  	_ =	swait.ge [sflag:s29], $0x6000  }
0x135: {  	[sflag:s29] =	ssyncset.done $0x0  }
0x136: {  	s16 =	rddreg [dreg:$0x10];
	[sflag:s29] =	ssyncadd.s32 $0xFFFFA000  }
0x137: {  	[hbm4b:s16+s3] =	stream.linear.scatter [tilespmem:s10], [sflag:$0x7], $0x6000, $0x38;
	[tilespmem:$0x1E800] =	vst v63  }
0x138: {  	_ =	swait.ge [sflag:s30], $0x6000  }
0x139: {  	[sflag:s30] =	ssyncset.done $0x0  }
0x13a: {  	[sflag:s30] =	ssyncadd.s32 $0xFFFFA000  }
0x13b: {  	v3 =	vld [tilespmem:$0x580];
	_ =	sdelay $0x4  }
0x13c: {  	v58 =	vshrl.u32 v3, $0x3  }
0x13d: {  	v4 =	vmul.u32 $0x30, v58  }
0x13e: {  	v3 =	vand.u32 $0x7, v3  }
0x13f: {  	v3 =	vor.u32 v3, v4  }
0x140: {  	v4 =	vperm.xlane v3, v0;
	_ =	sdelay $0x1  }
0x141: {  	v4 =	vadd.s32 v1, v4;
	_ =	sdelay $0x3  }
0x142: {  	v3 =	vperm.xlane v3, v2  }
0x143: {  	[tilespmem:s10], [sflag:$0x2] =	stream.indirect_vreg.gather [hbm4b:s1+s3], $0x80, v4, vm0, $0xb8;
	[tilespmem:$0x1E800] =	vst v63  }
0x144: {  	s16 =	simm.s32 $0x7000;
	v3 =	vadd.s32 v1, v3  }
0x145: {  	[tilespmem:s16], [sflag:$0x2] =	stream.indirect_vreg.gather [hbm4b:s5+s3], $0x80, v4, vm0, $0xb8;
	[tilespmem:$0x1E800] =	vst v63  }
0x146: {  	_ = 	snop  }
0x147: {  	[tilespmem:s18], [sflag:$0x2] =	stream.indirect_vreg.gather [hbm4b:s6+s3], $0x80, v4, vm0, $0xb8;
	[tilespmem:$0x1E800] =	vst v63  }
0x148: {  	_ = 	snop  }
0x149: {  	[tilespmem:s19], [sflag:$0x2] =	stream.indirect_vreg.gather [hbm4b:s1+s3], $0x80, v3, vm0, $0xb8;
	[tilespmem:$0x1E800] =	vst v63  }
0x14a: {  	_ = 	snop  }
0x14b: {  	[tilespmem:s20], [sflag:$0x2] =	stream.indirect_vreg.gather [hbm4b:s5+s3], $0x80, v3, vm0, $0xb8;
	[tilespmem:$0x1E800] =	vst v63  }
0x14c: {  	_ = 	snop  }
0x14d: {  	[tilespmem:s21], [sflag:$0x2] =	stream.indirect_vreg.gather [hbm4b:s6+s3], $0x80, v3, vm0, $0xb8;
	[tilespmem:$0x1E800] =	vst v63  }
0x14e: {  	v3 =	vld [tilespmem:$0x590];
	_ =	sdelay $0x4  }
0x14f: {  	v59 =	vshrl.u32 v3, $0x3  }
0x150: {  	v4 =	vmul.u32 $0x30, v59  }
0x151: {  	v3 =	vand.u32 $0x7, v3  }
0x152: {  	v3 =	vor.u32 v3, v4  }
0x153: {  	v4 =	vperm.xlane v3, v0;
	_ =	sdelay $0x1  }
0x154: {  	v4 =	vadd.s32 v1, v4;
	_ =	sdelay $0x3  }
0x155: {  	v3 =	vperm.xlane v3, v2  }
0x156: {  	[tilespmem:s24], [sflag:$0x2] =	stream.indirect_vreg.gather [hbm4b:s1+s3], $0x80, v4, vm0, $0xb8;
	[tilespmem:$0x1E800] =	vst v63  }
0x157: {  	v3 =	vadd.s32 v1, v3  }
0x158: {  	[tilespmem:s25], [sflag:$0x2] =	stream.indirect_vreg.gather [hbm4b:s5+s3], $0x80, v4, vm0, $0xb8;
	[tilespmem:$0x1E800] =	vst v63  }
0x159: {  	_ = 	snop  }
0x15a: {  	[tilespmem:s26], [sflag:$0x2] =	stream.indirect_vreg.gather [hbm4b:s6+s3], $0x80, v4, vm0, $0xb8;
	[tilespmem:$0x1E800] =	vst v63  }
0x15b: {  	_ = 	snop  }
0x15c: {  	[tilespmem:s28], [sflag:$0x2] =	stream.indirect_vreg.gather [hbm4b:s1+s3], $0x80, v3, vm0, $0xb8;
	[tilespmem:$0x1E800] =	vst v63  }
0x15d: {  	s16 =	simm.s32 $0xB800  }
0x15e: {  	[tilespmem:s16], [sflag:$0x2] =	stream.indirect_vreg.gather [hbm4b:s5+s3], $0x80, v3, vm0, $0xb8;
	[tilespmem:$0x1E800] =	vst v63  }
0x15f: {  	_ = 	snop  }
0x160: {  	[tilespmem:s17], [sflag:$0x2] =	stream.indirect_vreg.gather [hbm4b:s6+s3], $0x80, v3, vm0, $0xb8;
	[tilespmem:$0x1E800] =	vst v63  }
0x161: {  	_ =	swait.ge [sflag:s31], $0x6000  }
0x162: {  	[sflag:s31] =	ssyncset.done $0x0  }
0x163: {  	s16 =	rddreg [dreg:$0x11];
	[sflag:s31] =	ssyncadd.s32 $0xFFFFA000  }
0x164: {  	[hbm4b:s16+s3] =	stream.linear.scatter [tilespmem:s22], [sflag:$0x8], $0x6000, $0x38;
	[tilespmem:$0x1E800] =	vst v63  }
0x165: {  	_ =	swait.ge [sflag:s0], $0x6000  }
0x166: {  	[sflag:s0] =	ssyncset.done $0x0  }
0x167: {  	s16 =	rddreg [dreg:$0x12];
	[sflag:s0] =	ssyncadd.s32 $0xFFFFA000  }
0x168: {  	[tilespmem:s22], [sflag:$0x3] =	stream.linear.gather [hbm4b:s16+s3], $0x6000, $0x38;
	[tilespmem:$0x1E800] =	vst v63  }
0x169: {  	_ =	swait.ge [sflag:s2], $0x6000  }
0x16a: {  	[sflag:s2] =	ssyncset.done $0x0  }
0x16b: {  	s16 =	rddreg [dreg:$0x13];
	[sflag:s2] =	ssyncadd.s32 $0xFFFFA000  }
0x16c: {  	[hbm4b:s16+s3] =	stream.linear.scatter [tilespmem:s23], [sflag:$0x9], $0x6000, $0x38;
	[tilespmem:$0x1E800] =	vst v63  }
0x16d: {  	_ =	swait.ge [sflag:s4], $0x6000  }
0x16e: {  	[sflag:s4] =	ssyncset.done $0x0  }
0x16f: {  	[sflag:s4] =	ssyncadd.s32 $0xFFFFA000  }
0x170: {  	v3 =	vld [tilespmem:$0x680];
	_ =	sdelay $0x4  }
0x171: {  	v60 =	vshrl.u32 v3, $0x3  }
0x172: {  	v4 =	vmul.u32 $0x30, v60  }
0x173: {  	v3 =	vand.u32 $0x7, v3  }
0x174: {  	v3 =	vor.u32 v3, v4  }
0x175: {  	v4 =	vperm.xlane v3, v0;
	_ =	sdelay $0x1  }
0x176: {  	v4 =	vadd.s32 v1, v4;
	_ =	sdelay $0x3  }
0x177: {  	v3 =	vperm.xlane v3, v2  }
0x178: {  	[tilespmem:s23], [sflag:$0x4] =	stream.indirect_vreg.gather [hbm4b:s1+s3], $0x80, v4, vm0, $0xb8;
	[tilespmem:$0x1E800] =	vst v63  }
0x179: {  	s16 =	simm.s32 $0x13000;
	v3 =	vadd.s32 v1, v3  }
0x17a: {  	[tilespmem:s16], [sflag:$0x4] =	stream.indirect_vreg.gather [hbm4b:s5+s3], $0x80, v4, vm0, $0xb8;
	[tilespmem:$0x1E800] =	vst v63  }
0x17b: {  	s16 =	simm.s32 $0x13800  }
0x17c: {  	[tilespmem:s16], [sflag:$0x4] =	stream.indirect_vreg.gather [hbm4b:s6+s3], $0x80, v4, vm0, $0xb8;
	[tilespmem:$0x1E800] =	vst v63  }
0x17d: {  	s16 =	simm.s32 $0x14000  }
0x17e: {  	[tilespmem:s16], [sflag:$0x4] =	stream.indirect_vreg.gather [hbm4b:s1+s3], $0x80, v3, vm0, $0xb8;
	[tilespmem:$0x1E800] =	vst v63  }
0x17f: {  	s16 =	simm.s32 $0x14800  }
0x180: {  	[tilespmem:s16], [sflag:$0x4] =	stream.indirect_vreg.gather [hbm4b:s5+s3], $0x80, v3, vm0, $0xb8;
	[tilespmem:$0x1E800] =	vst v63  }
0x181: {  	s16 =	simm.s32 $0x15000  }
0x182: {  	[tilespmem:s16], [sflag:$0x4] =	stream.indirect_vreg.gather [hbm4b:s6+s3], $0x80, v3, vm0, $0xb8;
	[tilespmem:$0x1E800] =	vst v63  }
0x183: {  	v3 =	vld [tilespmem:$0x690];
	_ =	sdelay $0x4  }
0x184: {  	v61 =	vshrl.u32 v3, $0x3  }
0x185: {  	v4 =	vmul.u32 $0x30, v61  }
0x186: {  	v3 =	vand.u32 $0x7, v3  }
0x187: {  	v3 =	vor.u32 v3, v4  }
0x188: {  	v4 =	vperm.xlane v3, v0;
	_ =	sdelay $0x1  }
0x189: {  	v4 =	vadd.s32 v1, v4;
	_ =	sdelay $0x3  }
0x18a: {  	s16 =	simm.s32 $0x15800;
	v3 =	vperm.xlane v3, v2  }
0x18b: {  	[tilespmem:s16], [sflag:$0x4] =	stream.indirect_vreg.gather [hbm4b:s1+s3], $0x80, v4, vm0, $0xb8;
	[tilespmem:$0x1E800] =	vst v63  }
0x18c: {  	v3 =	vadd.s32 v1, v3;
	s16 =	simm.s32 $0x16000  }
0x18d: {  	[tilespmem:s16], [sflag:$0x4] =	stream.indirect_vreg.gather [hbm4b:s5+s3], $0x80, v4, vm0, $0xb8;
	[tilespmem:$0x1E800] =	vst v63  }
0x18e: {  	s16 =	simm.s32 $0x16800  }
0x18f: {  	[tilespmem:s16], [sflag:$0x4] =	stream.indirect_vreg.gather [hbm4b:s6+s3], $0x80, v4, vm0, $0xb8;
	[tilespmem:$0x1E800] =	vst v63  }
0x190: {  	s16 =	simm.s32 $0x17000  }
0x191: {  	[tilespmem:s16], [sflag:$0x4] =	stream.indirect_vreg.gather [hbm4b:s1+s3], $0x80, v3, vm0, $0xb8;
	[tilespmem:$0x1E800] =	vst v63  }
0x192: {  	s16 =	simm.s32 $0x17800  }
0x193: {  	[tilespmem:s16], [sflag:$0x4] =	stream.indirect_vreg.gather [hbm4b:s5+s3], $0x80, v3, vm0, $0xb8;
	[tilespmem:$0x1E800] =	vst v63  }
0x194: {  	s16 =	simm.s32 $0x18000  }
0x195: {  	[tilespmem:s16], [sflag:$0x4] =	stream.indirect_vreg.gather [hbm4b:s6+s3], $0x80, v3, vm0, $0xb8;
	[tilespmem:$0x1E800] =	vst v63  }
0x196: {  	_ =	swait.ge [sflag:s9], $0x6000  }
0x197: {  	[sflag:s9] =	ssyncset.done $0x0  }
0x198: {  	s16 =	rddreg [dreg:$0x14];
	[sflag:s9] =	ssyncadd.s32 $0xFFFFA000  }
0x199: {  	[hbm4b:s16+s3] =	stream.linear.scatter [tilespmem:s12], [sflag:$0xA], $0x6000, $0x38;
	[tilespmem:$0x1E800] =	vst v63  }
0x19a: {  	_ =	swait.ge [sflag:s11], $0x6000  }
0x19b: {  	[sflag:s11] =	ssyncset.done $0x0  }
0x19c: {  	s16 =	rddreg [dreg:$0x15];
	[sflag:s11] =	ssyncadd.s32 $0xFFFFA000  }
0x19d: {  	[tilespmem:s12], [sflag:$0x5] =	stream.linear.gather [hbm4b:s16+s3], $0x6000, $0x38;
	[tilespmem:$0x1E800] =	vst v63  }
0x19e: {  	_ =	swait.ge [sflag:s13], $0x6000  }
0x19f: {  	[sflag:s13] =	ssyncset.done $0x0  }
0x1a0: {  	s16 =	rddreg [dreg:$0x16];
	[sflag:s13] =	ssyncadd.s32 $0xFFFFA000  }
0x1a1: {  	[hbm4b:s16+s3] =	stream.linear.scatter [tilespmem:s8], [sflag:$0x6], $0x6000, $0x38;
	[tilespmem:$0x1E800] =	vst v63  }
0x1a2: {  	_ =	swait.ge [sflag:s14], $0x6000  }
0x1a3: {  	[sflag:s14] =	ssyncset.done $0x0  }
0x1a4: {  	[sflag:s14] =	ssyncadd.s32 $0xFFFFA000  }
0x1a5: {  	v3 =	vld [tilespmem:$0x780];
	_ =	sdelay $0x4  }
0x1a6: {  	v62 =	vshrl.u32 v3, $0x3  }
0x1a7: {  	v4 =	vmul.u32 $0x30, v62  }
0x1a8: {  	v3 =	vand.u32 $0x7, v3  }
0x1a9: {  	v3 =	vor.u32 v3, v4  }
0x1aa: {  	v4 =	vperm.xlane v3, v0;
	_ =	sdelay $0x1  }
0x1ab: {  	v4 =	vadd.s32 v1, v4;
	_ =	sdelay $0x3  }
0x1ac: {  	v3 =	vperm.xlane v3, v2  }
0x1ad: {  	[tilespmem:s8], [sflag:$0x1] =	stream.indirect_vreg.gather [hbm4b:s1+s3], $0x80, v4, vm0, $0xb8;
	[tilespmem:$0x1E800] =	vst v63  }
0x1ae: {  	s16 =	simm.s32 $0x1000;
	v3 =	vadd.s32 v1, v3  }
0x1af: {  	[tilespmem:s16], [sflag:$0x1] =	stream.indirect_vreg.gather [hbm4b:s5+s3], $0x80, v4, vm0, $0xb8;
	[tilespmem:$0x1E800] =	vst v63  }
0x1b0: {  	s16 =	simm.s32 $0x1800  }
0x1b1: {  	[tilespmem:s16], [sflag:$0x1] =	stream.indirect_vreg.gather [hbm4b:s6+s3], $0x80, v4, vm0, $0xb8;
	[tilespmem:$0x1E800] =	vst v63  }
0x1b2: {  	s16 =	simm.s32 $0x2000  }
0x1b3: {  	[tilespmem:s16], [sflag:$0x1] =	stream.indirect_vreg.gather [hbm4b:s1+s3], $0x80, v3, vm0, $0xb8;
	[tilespmem:$0x1E800] =	vst v63  }
0x1b4: {  	s16 =	simm.s32 $0x2800  }
0x1b5: {  	[tilespmem:s16], [sflag:$0x1] =	stream.indirect_vreg.gather [hbm4b:s5+s3], $0x80, v3, vm0, $0xb8;
	[tilespmem:$0x1E800] =	vst v63  }
0x1b6: {  	s16 =	simm.s32 $0x3000  }
0x1b7: {  	[tilespmem:s16], [sflag:$0x1] =	stream.indirect_vreg.gather [hbm4b:s6+s3], $0x80, v3, vm0, $0xb8;
	[tilespmem:$0x1E800] =	vst v63  }
0x1b8: {  	v3 =	vld [tilespmem:$0x790];
	_ =	sdelay $0x4  }
0x1b9: {  	v63 =	vshrl.u32 v3, $0x3  }
0x1ba: {  	v4 =	vmul.u32 $0x30, v63  }
0x1bb: {  	v3 =	vand.u32 $0x7, v3  }
0x1bc: {  	v3 =	vor.u32 v3, v4  }
0x1bd: {  	v4 =	vperm.xlane v3, v0;
	_ =	sdelay $0x1  }
0x1be: {  	v4 =	vadd.s32 v1, v4;
	_ =	sdelay $0x3  }
0x1bf: {  	s16 =	simm.s32 $0x3800;
	v3 =	vperm.xlane v3, v2  }
0x1c0: {  	[tilespmem:s16], [sflag:$0x1] =	stream.indirect_vreg.gather [hbm4b:s1+s3], $0x80, v4, vm0, $0xb8;
	[tilespmem:$0x1E800] =	vst v63  }
0x1c1: {  	v3 =	vadd.s32 v1, v3;
	s16 =	simm.s32 $0x4000  }
0x1c2: {  	[tilespmem:s16], [sflag:$0x1] =	stream.indirect_vreg.gather [hbm4b:s5+s3], $0x80, v4, vm0, $0xb8;
	[tilespmem:$0x1E800] =	vst v63  }
0x1c3: {  	s16 =	simm.s32 $0x4800  }
0x1c4: {  	[tilespmem:s16], [sflag:$0x1] =	stream.indirect_vreg.gather [hbm4b:s6+s3], $0x80, v4, vm0, $0xb8;
	[tilespmem:$0x1E800] =	vst v63  }
0x1c5: {  	s16 =	simm.s32 $0x5000  }
0x1c6: {  	[tilespmem:s16], [sflag:$0x1] =	stream.indirect_vreg.gather [hbm4b:s1+s3], $0x80, v3, vm0, $0xb8;
	[tilespmem:$0x1E800] =	vst v63  }
0x1c7: {  	s16 =	simm.s32 $0x5800  }
0x1c8: {  	[tilespmem:s16], [sflag:$0x1] =	stream.indirect_vreg.gather [hbm4b:s5+s3], $0x80, v3, vm0, $0xb8;
	[tilespmem:$0x1E800] =	vst v63  }
0x1c9: {  	s16 =	simm.s32 $0x6000  }
0x1ca: {  	[tilespmem:s16], [sflag:$0x1] =	stream.indirect_vreg.gather [hbm4b:s6+s3], $0x80, v3, vm0, $0xb8;
	[tilespmem:$0x1E800] =	vst v63  }
0x1cb: {  	_ =	swait.ge [sflag:s29], $0x6000  }
0x1cc: {  	[sflag:s29] =	ssyncset.done $0x0  }
0x1cd: {  	s16 =	rddreg [dreg:$0x17];
	[sflag:s29] =	ssyncadd.s32 $0xFFFFA000  }
0x1ce: {  	[hbm4b:s16+s3] =	stream.linear.scatter [tilespmem:s10], [sflag:$0x7], $0x6000, $0x38;
	[tilespmem:$0x1E800] =	vst v63  }
0x1cf: {  	_ =	swait.ge [sflag:s31], $0x6000  }
0x1d0: {  	[sflag:s31] =	ssyncset.done $0x0  }
0x1d1: {  	s16 =	rddreg [dreg:$0x18];
	[sflag:s31] =	ssyncadd.s32 $0xFFFFA000  }
0x1d2: {  	[hbm4b:s16+s3] =	stream.linear.scatter [tilespmem:s22], [sflag:$0x8], $0x6000, $0x38;
	[tilespmem:$0x1E800] =	vst v63  }
0x1d3: {  	_ =	swait.ge [sflag:s2], $0x6000  }
0x1d4: {  	[sflag:s2] =	ssyncset.done $0x0  }
0x1d5: {  	s16 =	rddreg [dreg:$0x19];
	[sflag:s2] =	ssyncadd.s32 $0xFFFFA000  }
0x1d6: {  	[hbm4b:s16+s3] =	stream.linear.scatter [tilespmem:s23], [sflag:$0x9], $0x6000, $0x38;
	[tilespmem:$0x1E800] =	vst v63  }
0x1d7: {  	_ =	swait.ge [sflag:s9], $0x6000  }
0x1d8: {  	[sflag:s9] =	ssyncset.done $0x0  }
0x1d9: {  	s16 =	rddreg [dreg:$0x1a];
	[sflag:s9] =	ssyncadd.s32 $0xFFFFA000  }
0x1da: {  	[hbm4b:s16+s3] =	stream.linear.scatter [tilespmem:s12], [sflag:$0xA], $0x6000, $0x38;
	[tilespmem:$0x1E800] =	vst v63  }
0x1db: {  	_ =	swait.ge [sflag:s13], $0x6000  }
0x1dc: {  	[sflag:s13] =	ssyncset.done $0x0  }
0x1dd: {  	s16 =	rddreg [dreg:$0x1b];
	[sflag:s13] =	ssyncadd.s32 $0xFFFFA000  }
0x1de: {  	[hbm4b:s16+s3] =	stream.linear.scatter [tilespmem:s8], [sflag:$0x6], $0x6000, $0x38;
	[tilespmem:$0x1E800] =	vst v63  }
0x1df: {  	_ =	swait.ge [sflag:s30], $0x6000  }
0x1e0: {  	[sflag:s30] =	ssyncset.done $0x0  }
0x1e1: {  	[sflag:s30] =	ssyncadd.s32 $0xFFFFA000  }
0x1e2: {  	_ =	swait.ge [sflag:s0], $0x6000  }
0x1e3: {  	[sflag:s0] =	ssyncset.done $0x0  }
0x1e4: {  	[sflag:s0] =	ssyncadd.s32 $0xFFFFA000  }
0x1e5: {  	_ =	swait.ge [sflag:s4], $0x6000  }
0x1e6: {  	[sflag:s4] =	ssyncset.done $0x0  }
0x1e7: {  	[sflag:s4] =	ssyncadd.s32 $0xFFFFA000  }
0x1e8: {  	p0 =	sne.s32 s7, $0x1;
	_ =	swait.ge [sflag:s11], $0x6000  }
.Ltmp0:
0x1e9: {  	[sflag:s11] =	ssyncset.done $0x0;
	(pc) =	sbr.rel @p0 .LBB2_1-.Ltmp0, $4  }
0x1ea: {  	[sflag:s11] =	ssyncadd.s32 $0xFFFFA000  }
0x1eb: {  	_ =	swait.ge [sflag:s14], $0x6000  }
0x1ec: {  	[sflag:s14] =	ssyncset.done $0x0  }
0x1ed: {  	s7 =	sadd.s32 $0xFFFFFFFF, s7;
	[sflag:s14] =	ssyncadd.s32 $0xFFFFA000  }
0x1ee: {  	_ =	sfence.sel $0x180000  }
0x1ef: {  	[bflag:$0x0] =	sbarrier.arrive $0xFFFF  }
0x1f0: {  	_ =	strace $0x90000047  }
0x1f1: {  	s0 =	stileid.u32;
	[bflag:$0x2] =	sbarrier.arrive $0xFFFF  }
0x1f2: {  	p0 =	sne.s32 s0, $0x0;
	s0 =	rddreg [dreg:$0x3]  }
0x1f3: {  	s0 =	sadd.s32 @!p0 $0x100000, s0  }
0x1f4: {  	[sflag:s0] =	ssyncadd.tile.s32 @!p0 $0x1;
	_ =	shalt  }
.Lfunc_end2:
_tile_overlayer_lowered:
.L_overlay_start_2:
0x1f5: {  	(tag) =	ssettag $0x2  }
0x1f6: {  	s0 =	rddreg [dreg:$0x0];
	s2 =	stileid.u32  }
0x1f7: {  	s1 =	rddreg [dreg:$0x1];
	p0 =	sne.s32 s2, $0x0  }
0x1f8: {  	s3 =	rddreg [dreg:$0x2];
	[bflag:$0x3] =	sbarrier.arrive $0xFFFF;
	s2 =	simm.s32 @!p0 $0x1C0B  }
0x1f9: {  	[timem:s3], [sflag:s2] =	dma.local @!p0 [hbm:s0], s1  }
0x1fa: {  	s0 =	simm.s32 @!p0 $0xB  }
0x1fb: {  	_ =	swait.ge @!p0 [sflag:s0], s1  }
0x1fc: {  	s1 =	ssub.s32 @!p0 $0x0, s1;
	[sflag:s0] =	ssyncset.done @!p0 $0x0  }
0x1fd: {  	[sflag:s0] =	ssyncadd.s32 @!p0 s1  }
0x1fe: {  	[bflag:$0x3] =	sbarrier.arrive $0xFFFF  }
0x1ff: {  	_ =	shalt  }

</sc_bundles>
